<compile_context>
chip_gen: v7x
topology: tpu7x:2x2x1
jax: 0.10.2.dev20260603
libtpu: 0.0.44.dev20260713+nightly
codegen_flags: <defaults>
</compile_context>

<pallas_src>
import functools

import jax
import jax.numpy as jnp
from jax import lax
from jax.experimental import pallas as pl
from jax.experimental.pallas import tpu as pltpu
from jax.experimental.pallas import tpu_sc as plsc

D = 128
E = 64
HD = 256
NH = 8
DH = D // NH
FF = 2048
PATCH = 16
NW = 32
TB = 512
TXW = 2 * D


def _layernorm(x, g, b):
    m = jnp.mean(x, axis=1, keepdims=True)
    xm = x - m
    v = jnp.mean(xm * xm, axis=1, keepdims=True)
    return xm * lax.rsqrt(v + 1e-5) * g + b


def _f32dot(a, b):
    return jnp.dot(a, b, preferred_element_type=jnp.float32)


def _exactdot(a, b, dims=None):
    if dims is None:
        dims = (((1,), (0,)), ((), ()))
    return lax.dot_general(a, b, dims, precision=lax.Precision.HIGHEST,
                           preferred_element_type=jnp.float32)


def _main_body(x_ref, wpe_ref, bpe_ref, wq_ref, bq_ref, wk_ref, bk_ref,
               wv_ref, bv_ref, wo_ref, bo_ref, g1_ref, b1_ref, w1_ref,
               c1_ref, w2_ref, c2_ref, g2_ref, b2_ref, wr_ref, br_ref,
               tx_ref, pos_ref, ce_ref, es_ref,
               ec_ref, aux_ref, hist_scr, psum_scr, idx_scr, t_scr):
    bi = pl.program_id(0)
    nb = pl.num_programs(0)
    n = x_ref.shape[0]

    t0 = _f32dot(x_ref[...], wpe_ref[...]) + bpe_ref[...]

    _transformer_tail(
        t0, bi, nb, n,
        wq_ref, bq_ref, wk_ref, bk_ref, wv_ref, bv_ref, wo_ref, bo_ref,
        g1_ref, b1_ref, w1_ref, c1_ref, w2_ref, c2_ref, g2_ref, b2_ref,
        wr_ref, br_ref, tx_ref, pos_ref, ce_ref, es_ref, ec_ref,
        aux_ref, hist_scr, psum_scr, idx_scr, t_scr)


def _transformer_tail(t0, bi, nb, n,
                      wq_ref, bq_ref, wk_ref, bk_ref, wv_ref, bv_ref,
                      wo_ref, bo_ref, g1_ref, b1_ref, w1_ref, c1_ref,
                      w2_ref, c2_ref, g2_ref, b2_ref, wr_ref, br_ref,
                      tx_ref, pos_ref, ce_ref, es_ref, ec_ref, aux_ref,
                      hist_scr, psum_scr, idx_scr, t_scr):
    q = (_f32dot(t0, wq_ref[...]) + bq_ref[...]) * 0.25
    k = _f32dot(t0, wk_ref[...]) + bk_ref[...]
    v = _f32dot(t0, wv_ref[...]) + bv_ref[...]

    ao_parts = []
    for h in range(NH):
        qh = q[:, h * DH:(h + 1) * DH]
        kh = k[:, h * DH:(h + 1) * DH]
        vh = v[:, h * DH:(h + 1) * DH]
        s = lax.dot_general(qh, kh, (((1,), (1,)), ((), ())),
                            preferred_element_type=jnp.float32)
        ex = jnp.exp(s)
        r = 1.0 / jnp.sum(ex, axis=1, keepdims=True)
        ao_parts.append(_f32dot(ex, vh) * r)
    ao = jnp.concatenate(ao_parts, axis=1)

    t = _layernorm(t0 + _f32dot(ao, wo_ref[...]) + bo_ref[...],
                   g1_ref[...], b1_ref[...])
    ff = c2_ref[...]
    fc = 512
    for f0 in range(0, FF, fc):
        ffh = jnp.maximum(
            _f32dot(t, w1_ref[:, f0:f0 + fc]) + c1_ref[:, f0:f0 + fc], 0.0)
        ff = ff + _f32dot(ffh, w2_ref[f0:f0 + fc, :])
    t = _layernorm(t + ff, g2_ref[...], b2_ref[...])
    t_scr[...] = t

    @pl.when(bi == 0)
    def _init():
        hist_scr[...] = jnp.zeros((1, E), jnp.float32)
        psum_scr[...] = jnp.zeros((1, E), jnp.float32)

    lane = lax.broadcasted_iota(jnp.int32, (TB, E), 1)
    lowtri = (lax.broadcasted_iota(jnp.int32, (TB, TB), 0)
              > lax.broadcasted_iota(jnp.int32, (TB, TB), 1)).astype(jnp.float32)
    bcol = jnp.full((TB, 1), bi, jnp.float32)

    pad = jnp.zeros((TB, TXW - D - 2), jnp.float32)

    def blk(i, carry):
        hist, psum = carry
        tb = t_scr[pl.ds(i * TB, TB), :]
        rl = _f32dot(tb, wr_ref[...]) + br_ref[...]
        ex = jnp.exp(rl - jnp.max(rl, axis=1, keepdims=True))
        probs = ex / jnp.sum(ex, axis=1, keepdims=True)
        g = jnp.max(probs, axis=1, keepdims=True)
        idxc = jnp.min(jnp.where(probs >= g, lane, E), axis=1, keepdims=True)
        oh = (lane == idxc).astype(jnp.float32)
        csum = _f32dot(lowtri, oh)
        rank = jnp.sum(csum * oh, axis=1, keepdims=True)
        prev = jnp.sum(hist * oh, axis=1, keepdims=True)
        base = bi * n + i * TB
        pos_ref[pl.ds(base, TB), :] = (rank + prev).astype(jnp.int32)
        idx_scr[pl.ds(base, TB), :] = idxc
        tx_ref[pl.ds(i * TB, TB), :] = jnp.concatenate(
            [tb, g, bcol, pad], axis=1)
        return (hist + jnp.sum(oh, axis=0, keepdims=True),
                psum + jnp.sum(probs, axis=0, keepdims=True))

    hist, psum = lax.fori_loop(0, n // TB, blk,
                               (hist_scr[...], psum_scr[...]))
    hist_scr[...] = hist
    psum_scr[...] = psum

    @pl.when(bi == nb - 1)
    def _finalize():
        tokens = float(n * nb)
        aux_ref[...] = (jnp.sum(hist * psum, axis=1, keepdims=True)
                        * (float(E) / (tokens * tokens)))
        uptri = (lax.broadcasted_iota(jnp.int32, (E, E), 0)
                 < lax.broadcasted_iota(jnp.int32, (E, E), 1)).astype(jnp.float32)
        offsets = _exactdot(hist, uptri)
        cum_end = offsets + hist
        ce_ref[...] = cum_end.astype(jnp.int32)
        ident = (lax.broadcasted_iota(jnp.int32, (E, E), 0)
                 == lax.broadcasted_iota(jnp.int32, (E, E), 1)).astype(jnp.float32)
        ce_col = _exactdot(ident, cum_end, (((1,), (1,)), ((), ())))
        nblk = (n * nb) // TB
        bs = (lax.broadcasted_iota(jnp.int32, (1, nblk), 1) * TB).astype(jnp.float32)
        e_first = jnp.sum((ce_col <= bs).astype(jnp.float32), axis=0,
                          keepdims=True)
        e_last = jnp.sum((ce_col <= bs + float(TB - 1)).astype(jnp.float32),
                         axis=0, keepdims=True)
        es_ref[...] = e_first.astype(jnp.int32)
        ec_ref[...] = (e_last - e_first + 1.0).astype(jnp.int32)

        def blk2(i, _):
            rank = pos_ref[pl.ds(i * TB, TB), :]
            idxc = idx_scr[pl.ds(i * TB, TB), :]
            oh = (lane == idxc).astype(jnp.float32)
            offg = jnp.sum(offsets * oh, axis=1, keepdims=True)
            pos_ref[pl.ds(i * TB, TB), :] = rank + offg.astype(jnp.int32)
            return 0

        lax.fori_loop(0, nblk, blk2, 0)


def _main(xp, batch, *weights):
    tokens, pin = xp.shape
    n = tokens // batch
    nblk = tokens // TB
    full = lambda shape: pl.BlockSpec(shape, lambda b: (0, 0))
    wspecs = [
        full((pin, D)), full((1, D)),
        full((D, D)), full((1, D)),
        full((D, D)), full((1, D)),
        full((D, D)), full((1, D)),
        full((D, D)), full((1, D)),
        full((1, D)), full((1, D)),
        full((D, FF)), full((1, FF)),
        full((FF, D)), full((1, D)),
        full((1, D)), full((1, D)),
        full((D, E)), full((1, E)),
    ]
    xspec = pl.BlockSpec((n, pin), lambda b: (b, 0))
    return pl.pallas_call(
        _main_body,
        grid=(batch,),
        in_specs=[xspec] + wspecs,
        out_specs=[
            pl.BlockSpec((n, TXW), lambda b: (b, 0)),
            full((tokens, 1)),
            full((1, E)),
            full((1, nblk)), full((1, nblk)),
            full((1, 1)),
        ],
        out_shape=[
            jax.ShapeDtypeStruct((tokens, TXW), jnp.float32),
            jax.ShapeDtypeStruct((tokens, 1), jnp.int32),
            jax.ShapeDtypeStruct((1, E), jnp.int32),
            jax.ShapeDtypeStruct((1, nblk), jnp.int32),
            jax.ShapeDtypeStruct((1, nblk), jnp.int32),
            jax.ShapeDtypeStruct((1, 1), jnp.float32),
        ],
        scratch_shapes=[pltpu.VMEM((1, E), jnp.float32),
                        pltpu.VMEM((1, E), jnp.float32),
                        pltpu.VMEM((tokens, 1), jnp.int32),
                        pltpu.VMEM((n, D), jnp.float32)],
    )(xp, *weights)


def _patchgather(xr, idxg, tokens, pin):
    rows = xr.shape[0]
    chunk = rows // NW
    tchunk = tokens // NW
    nsub = pin // PATCH
    mesh = plsc.VectorSubcoreMesh(core_axis_name="c", subcore_axis_name="s")

    @functools.partial(
        pl.kernel, mesh=mesh,
        out_type=jax.ShapeDtypeStruct((rows, PATCH), jnp.float32),
        compiler_params=pltpu.CompilerParams(use_tc_tiling_on_sc=False),
        scratch_types=[
            pltpu.VMEM((chunk,), jnp.int32),
            pltpu.VMEM((chunk, PATCH), jnp.float32),
            pltpu.SemaphoreType.DMA,
        ],
    )
    def k(xr_hbm, idx_hbm, out_hbm, idx_v, rows_v, sem):
        wid = lax.axis_index("s") * 2 + lax.axis_index("c")
        base = wid * chunk
        pltpu.sync_copy(idx_hbm.at[pl.ds(base, chunk)], idx_v)
        pltpu.async_copy(xr_hbm.at[idx_v], rows_v, sem).wait()
        pltpu.sync_copy(rows_v, out_hbm.at[pl.ds(base, chunk)])

    return k(xr, idxg)


def _dispatch(tx, pos):
    tokens = tx.shape[0]
    chunk = tokens // NW
    mesh = plsc.VectorSubcoreMesh(core_axis_name="c", subcore_axis_name="s")

    @functools.partial(
        pl.kernel, mesh=mesh,
        out_type=jax.ShapeDtypeStruct((tokens, TXW), jnp.float32),
        scratch_types=[
            pltpu.VMEM((chunk,), jnp.int32),
            pltpu.VMEM((chunk, TXW), jnp.float32),
            pltpu.SemaphoreType.DMA,
        ],
    )
    def k(tx_hbm, pos_hbm, out_hbm, pos_v, rows_v, sem):
        wid = lax.axis_index("s") * 2 + lax.axis_index("c")
        base = wid * chunk
        pltpu.sync_copy(pos_hbm.at[pl.ds(base, chunk)], pos_v)
        pltpu.sync_copy(tx_hbm.at[pl.ds(base, chunk)], rows_v)
        pltpu.async_copy(rows_v, out_hbm.at[pos_v], sem).wait()

    return k(tx, pos)


def _expert_body(es_ref, ec_ref, x_ref, we_ref, be_ref, ce_ref,
                 wfc_ref, bfc_ref, cls_ref, pool_scr):
    i = pl.program_id(0)
    nb = pl.num_programs(0)
    batch = cls_ref.shape[0]

    @pl.when(i == 0)
    def _init():
        pool_scr[...] = jnp.zeros(pool_scr.shape, jnp.float32)

    x = x_ref[:, 0:D]
    p = lax.broadcasted_iota(jnp.int32, (TB, 1), 0) + i * TB
    eid = jnp.sum((ce_ref[...] <= p).astype(jnp.int32), axis=1, keepdims=True)
    e0 = es_ref[0, i]
    cnt = ec_ref[0, i]

    def body(i2, acc):
        e_a = e0 + 2 * i2
        e_b = jnp.minimum(e_a + 1, E - 1)
        h_a = jax.nn.gelu(_f32dot(x, we_ref[e_a]) + be_ref[e_a])
        h_b = jax.nn.gelu(_f32dot(x, we_ref[e_b]) + be_ref[e_b])
        acc = jnp.where(eid == e_a, h_a, acc)
        return jnp.where(eid == e_a + 1, h_b, acc)

    h = lax.fori_loop(0, (cnt + 1) // 2, body,
                      jnp.zeros((TB, HD), jnp.float32))

    gb = x_ref[:, D:D + 2]
    ident = (lax.broadcasted_iota(jnp.int32, (TB, TB), 0)
             == lax.broadcasted_iota(jnp.int32, (TB, TB), 1)).astype(jnp.float32)
    gbt = _exactdot(gb, ident, (((0,), (0,)), ((), ())))
    gate_row = gbt[0:1, :]
    img_row = gbt[1:2, :]
    biota = lax.broadcasted_iota(jnp.int32, (batch, TB), 0).astype(jnp.float32)
    sel = (biota == img_row).astype(jnp.float32) * gate_row
    pool_scr[...] += _exactdot(sel, h)

    @pl.when(i == nb - 1)
    def _head():
        n_per_img = float(nb * TB // batch)
        pooled = pool_scr[...] * (1.0 / n_per_img)
        cls_ref[...] = _f32dot(pooled, wfc_ref[...]) + bfc_ref[...]


def _expert(es, ec, xs, we, be, ce, wfc, bfc, batch):
    tokens = xs.shape[0]
    nblk = tokens // TB
    nc = wfc.shape[1]
    smem = pl.BlockSpec(memory_space=pltpu.SMEM)
    full = lambda shape: pl.BlockSpec(shape, lambda i: tuple(0 for _ in shape))
    return pl.pallas_call(
        _expert_body,
        grid=(nblk,),
        in_specs=[
            smem, smem,
            pl.BlockSpec((TB, TXW), lambda i: (i, 0)),
            full((E, D, HD)),
            full((E, 1, HD)),
            full((1, E)),
            full((HD, nc)),
            full((1, nc)),
        ],
        out_specs=pl.BlockSpec((batch, nc), lambda i: (0, 0)),
        out_shape=jax.ShapeDtypeStruct((batch, nc), jnp.float32),
        scratch_shapes=[pltpu.VMEM((batch, HD), jnp.float32)],
    )(es, ec, xs, we, be, ce, wfc, bfc)


def kernel(x, W_pe, b_pe, Wq, bq, Wk, bk, Wv, bv, Wo, bo, ln1_g, ln1_b,
           W_ff1, b_ff1, W_ff2, b_ff2, ln2_g, ln2_b, W_r, b_r, W_e, b_e,
           W_fc, b_fc):
    batch = x.shape[0]
    gp = x.shape[2] // PATCH
    n = gp * gp
    tokens = batch * n
    row = lambda a: a.reshape(1, -1)

    xr = x.reshape(batch * 3 * gp * PATCH * gp, PATCH)
    g = jnp.arange(tokens * 3 * PATCH, dtype=jnp.int32)
    token, sub = g // (3 * PATCH), g % (3 * PATCH)
    ci, py = sub // PATCH, sub % PATCH
    bimg, rem = token // n, token % n
    gy, gx = rem // gp, rem % gp
    idxg = ((bimg * 3 + ci) * gp * PATCH + gy * PATCH + py) * gp + gx
    xp = _patchgather(xr, idxg, tokens,
                      3 * PATCH * PATCH).reshape(tokens, 3 * PATCH * PATCH)

    (tx, pos, cum_end, e_start, e_count, aux) = _main(
        xp, batch, W_pe, row(b_pe), Wq, row(bq), Wk, row(bk), Wv, row(bv),
        Wo, row(bo), row(ln1_g), row(ln1_b), W_ff1, row(b_ff1),
        W_ff2, row(b_ff2), row(ln2_g), row(ln2_b), W_r, row(b_r))

    sorted_tx = _dispatch(tx, pos.reshape(tokens))
    cls = _expert(e_start, e_count, sorted_tx, W_e, b_e.reshape(E, 1, HD),
                  cum_end, W_fc, row(b_fc), batch)
    return cls, aux.reshape(())

# --- scband reference (transcript-rebuilt; emitter-appended) ---
"""Pipeline reference for scband-vision-mo-e-4355096838535 (READ-ONLY COPY).

The authoritative reference and input builder live on the scoring server;
editing this copy changes nothing except your own understanding.
"""

import jax, jax.numpy as jnp
import numpy as np

D = 128
E = 64
HD = 256
NC = 1000
P = 16
IMG = 512
NH = 8
FF = 2048

def _ln(x, g, b):
    m = jnp.mean(x, -1, keepdims=True)
    v = jnp.var(x, -1, keepdims=True)
    return (x - m) / jnp.sqrt(v + 1e-5) * g + b

def _forward(x, W_pe, b_pe, Wq, bq, Wk, bk, Wv, bv, Wo, bo, ln1_g, ln1_b, W_ff1, b_ff1, W_ff2, b_ff2, ln2_g, ln2_b, W_r, b_r, W_e, b_e, W_fc, b_fc):
    B = x.shape[0]
    Gp = x.shape[2] // P
    N = Gp * Gp
    dh = D // NH
    # PatchEmbedding: Conv2d(kernel=stride=patch) == patch extraction + linear proj
    xp = x.reshape(B, 3, Gp, P, Gp, P).transpose(0, 2, 4, 1, 3, 5).reshape(B, N, 3 * P * P)
    t = xp @ W_pe + b_pe
    # TransformerEncoderLayer (post-norm, ReLU FFN of width 2048, eval mode / no dropout)
    q = (t @ Wq + bq).reshape(B, N, NH, dh).transpose(0, 2, 1, 3)
    k = (t @ Wk + bk).reshape(B, N, NH, dh).transpose(0, 2, 1, 3)
    v = (t @ Wv + bv).reshape(B, N, NH, dh).transpose(0, 2, 1, 3)
    s = jnp.einsum('bhqd,bhkd->bhqk', q, k) / np.float32(np.sqrt(dh))
    a = jax.nn.softmax(s, axis=-1)
    ao = jnp.einsum('bhqk,bhkd->bhqd', a, v).transpose(0, 2, 1, 3).reshape(B, N, D)
    ao = ao @ Wo + bo
    t = _ln(t + ao, ln1_g, ln1_b)
    ff = jax.nn.relu(t @ W_ff1 + b_ff1) @ W_ff2 + b_ff2
    t = _ln(t + ff, ln2_g, ln2_b)
    # MoE: top-1 router, experts project dim -> expert_dim (GELU), switch-style aux loss
    tok = t.reshape(B * N, D)
    rl = tok @ W_r + b_r
    probs = jax.nn.softmax(rl, axis=-1)
    gate, idx = jax.lax.top_k(probs, 1)
    idx = idx[:, 0]
    gate = gate[:, 0]
    oh = jax.nn.one_hot(idx, E, dtype=tok.dtype)
    ein = jnp.einsum('te,td->etd', oh, tok)
    h = jax.nn.gelu(jnp.einsum('etd,edh->eth', ein, W_e) + b_e[:, None, :])
    comb = jnp.einsum('eth,te->th', h, oh) * gate[:, None]
    aux = E * jnp.sum(jnp.mean(oh, axis=0) * jnp.mean(probs, axis=0))
    cls = comb.reshape(B, N, HD).mean(axis=1) @ W_fc + b_fc
    return cls, aux

def setup_inputs(seed: int = 0):
    key = jax.random.key(seed)
    ks = jax.random.split(key, 16)
    def w(k, shape):
        return jax.random.normal(k, shape, dtype=jnp.float32) * 0.02
    return {
        'x': jax.random.normal(ks[0], (4, 3, IMG, IMG), dtype=jnp.float32),
        'W_pe': w(ks[1], (3 * P * P, D)), 'b_pe': jnp.zeros((D,), jnp.float32),
        'Wq': w(ks[2], (D, D)), 'bq': jnp.zeros((D,), jnp.float32),
        'Wk': w(ks[3], (D, D)), 'bk': jnp.zeros((D,), jnp.float32),
        'Wv': w(ks[4], (D, D)), 'bv': jnp.zeros((D,), jnp.float32),
        'Wo': w(ks[5], (D, D)), 'bo': jnp.zeros((D,), jnp.float32),
        'ln1_g': jnp.ones((D,), jnp.float32), 'ln1_b': jnp.zeros((D,), jnp.float32),
        'W_ff1': w(ks[6], (D, FF)), 'b_ff1': jnp.zeros((FF,), jnp.float32),
        'W_ff2': w(ks[7], (FF, D)), 'b_ff2': jnp.zeros((D,), jnp.float32),
        'ln2_g': jnp.ones((D,), jnp.float32), 'ln2_b': jnp.zeros((D,), jnp.float32),
        'W_r': w(ks[8], (D, E)), 'b_r': jnp.zeros((E,), jnp.float32),
        'W_e': w(ks[9], (E, D, HD)), 'b_e': jnp.zeros((E, HD), jnp.float32),
        'W_fc': w(ks[10], (HD, NC)), 'b_fc': jnp.zeros((NC,), jnp.float32),
    }

def reference(x, W_pe, b_pe, Wq, bq, Wk, bk, Wv, bv, Wo, bo, ln1_g, ln1_b, W_ff1, b_ff1, W_ff2, b_ff2, ln2_g, ln2_b, W_r, b_r, W_e, b_e, W_fc, b_fc):
    return _forward(x, W_pe, b_pe, Wq, bq, Wk, bk, Wv, bv, Wo, bo, ln1_g, ln1_b, W_ff1, b_ff1, W_ff2, b_ff2, ln2_g, ln2_b, W_r, b_r, W_e, b_e, W_fc, b_fc)

if __name__ == "__main__":
    import jax
    _d = setup_inputs()
    print(jax.jit(kernel)(*tuple(_d.values())))

</pallas_src>

<mosaic_0001>
#map = affine_map<(d0, d1) -> (0, 0)>
#map1 = affine_map<(d0, d1) -> (0)>
module attributes {stable_mosaic.version = 14 : i64} {
  func.func @k(%arg0: i32, %arg1: i32, %arg2: memref<4096x256xf32, #tpu.memory_space<hbm>>, %arg3: memref<4096xi32, #tpu.memory_space<hbm>>, %arg4: memref<4096x256xf32, #tpu.memory_space<hbm>>, %arg5: memref<128xi32, #tpu.memory_space<vmem>>, %arg6: memref<128x256xf32, #tpu.memory_space<vmem>>, %arg7: memref<!tpu.dma_semaphore, #tpu.memory_space<semaphore_mem>>) attributes {dimension_semantics = [#tpu.dimension_semantics<core_parallel>, #tpu.dimension_semantics<subcore_parallel>], iteration_bounds = array<i64: 2, 16>, scalar_prefetch = 0 : i64, scratch_operands = 3 : i64, tpu.core_type = #tpu.core_type<sc_vector_subcore>, window_params = [{transform_indices = #map}, {transform_indices = #map1}, {transform_indices = #map}]} {
    %mul3A = arith.constant 2 : i32
    %mul3A_0 = arith.muli %arg1, %mul3A : i32
    %add3A = arith.addi %mul3A_0, %arg0 : i32
    %mul3A_1 = arith.constant 128 : i32
    %mul3A_2 = arith.muli %add3A, %mul3A_1 : i32
    "tpu.region"() ({
      %run_scoped3A = tpu.sem_alloc : memref<!tpu.dma_semaphore, #tpu.memory_space<semaphore_mem>>
      %dma_start3A_7 = tpu.memref_slice %arg3[%mul3A_2] : memref<4096xi32, #tpu.memory_space<hbm>> -> memref<128xi32, #tpu.memory_space<hbm>>
      %dma_start3A_8 = tpu.memref_slice %arg3[%mul3A_2] : memref<4096xi32, #tpu.memory_space<hbm>> -> memref<128xi32, #tpu.memory_space<hbm>>
      tpu.enqueue_dma source(%dma_start3A_8 : memref<128xi32, #tpu.memory_space<hbm>>) target(%arg5 : memref<128xi32, #tpu.memory_space<vmem>>) target_semaphore(%run_scoped3A : memref<!tpu.dma_semaphore, #tpu.memory_space<semaphore_mem>>)
      %dma_wait3A_9 = tpu.memref_slice %arg3[%mul3A_2] : memref<4096xi32, #tpu.memory_space<hbm>> -> memref<128xi32, #tpu.memory_space<hbm>>
      %dma_wait3A_10 = tpu.memref_slice %arg3[%mul3A_2] : memref<4096xi32, #tpu.memory_space<hbm>> -> memref<128xi32, #tpu.memory_space<hbm>>
      tpu.wait_dma2 semaphore(%run_scoped3A : memref<!tpu.dma_semaphore, #tpu.memory_space<semaphore_mem>>) src(%dma_wait3A_10 : memref<128xi32, #tpu.memory_space<hbm>>) dst(%arg5 : memref<128xi32, #tpu.memory_space<vmem>>)
      tpu.yield
    }) : () -> ()
    "tpu.region"() ({
      %run_scoped3A = tpu.sem_alloc : memref<!tpu.dma_semaphore, #tpu.memory_space<semaphore_mem>>
      %dma_start3A_7 = arith.constant 0 : i32
      %dma_start3A_8 = tpu.memref_slice %arg2[%mul3A_2, %dma_start3A_7] : memref<4096x256xf32, #tpu.memory_space<hbm>> -> memref<128x256xf32, #tpu.memory_space<hbm>>
      %dma_start3A_9 = arith.constant 0 : i32
      %dma_start3A_10 = tpu.memref_slice %arg2[%mul3A_2, %dma_start3A_9] : memref<4096x256xf32, #tpu.memory_space<hbm>> -> memref<128x256xf32, #tpu.memory_space<hbm>>
      tpu.enqueue_dma source(%dma_start3A_10 : memref<128x256xf32, #tpu.memory_space<hbm>>) target(%arg6 : memref<128x256xf32, #tpu.memory_space<vmem>>) target_semaphore(%run_scoped3A : memref<!tpu.dma_semaphore, #tpu.memory_space<semaphore_mem>>)
      %dma_wait3A_11 = arith.constant 0 : i32
      %dma_wait3A_12 = tpu.memref_slice %arg2[%mul3A_2, %dma_wait3A_11] : memref<4096x256xf32, #tpu.memory_space<hbm>> -> memref<128x256xf32, #tpu.memory_space<hbm>>
      %dma_wait3A_13 = arith.constant 0 : i32
      %dma_wait3A_14 = tpu.memref_slice %arg2[%mul3A_2, %dma_wait3A_13] : memref<4096x256xf32, #tpu.memory_space<hbm>> -> memref<128x256xf32, #tpu.memory_space<hbm>>
      tpu.wait_dma2 semaphore(%run_scoped3A : memref<!tpu.dma_semaphore, #tpu.memory_space<semaphore_mem>>) src(%dma_wait3A_14 : memref<128x256xf32, #tpu.memory_space<hbm>>) dst(%arg6 : memref<128x256xf32, #tpu.memory_space<vmem>>)
      tpu.yield
    }) : () -> ()
    %dma_start3A = arith.constant 0 : i32
    %dma_start3A_3 = arith.constant 0 : i32
    %dma_start3A_4 = tpu.memref_slice %arg4[%dma_start3A, %dma_start3A_3] : memref<4096x256xf32, #tpu.memory_space<hbm>> -> memref<4096x256xf32, #tpu.memory_space<hbm>>
    tpu.enqueue_indirect_dma source(%arg6 : memref<128x256xf32, #tpu.memory_space<vmem>>) target(%dma_start3A_4 : memref<4096x256xf32, #tpu.memory_space<hbm>>) offsets(%arg5 : memref<128xi32, #tpu.memory_space<vmem>>) semaphore(%arg7 : memref<!tpu.dma_semaphore, #tpu.memory_space<semaphore_mem>>)
    %dma_wait3A = arith.constant 0 : i32
    %dma_wait3A_5 = arith.constant 0 : i32
    %dma_wait3A_6 = tpu.memref_slice %arg4[%dma_wait3A, %dma_wait3A_5] : memref<4096x256xf32, #tpu.memory_space<hbm>> -> memref<4096x256xf32, #tpu.memory_space<hbm>>
    tpu.wait_indirect_dma semaphore(%arg7 : memref<!tpu.dma_semaphore, #tpu.memory_space<semaphore_mem>>) src(%arg6 : memref<128x256xf32, #tpu.memory_space<vmem>>) dst(%dma_wait3A_6 : memref<4096x256xf32, #tpu.memory_space<hbm>>)
    return
  }
}

#map = affine_map<(d0, d1) -> (0, 0)>
#map1 = affine_map<(d0, d1) -> (0)>
module attributes {stable_mosaic.version = 14 : i64} {
  func.func @k(%arg0: i32, %arg1: i32, %arg2: memref<196608x16xf32, #tpu.memory_space<hbm>>, %arg3: memref<196608xi32, #tpu.memory_space<hbm>>, %arg4: memref<196608x16xf32, #tpu.memory_space<hbm>>, %arg5: memref<6144xi32, #tpu.memory_space<vmem>>, %arg6: memref<6144x16xf32, #tpu.memory_space<vmem>>, %arg7: memref<!tpu.dma_semaphore, #tpu.memory_space<semaphore_mem>>) attributes {dimension_semantics = [#tpu.dimension_semantics<core_parallel>, #tpu.dimension_semantics<subcore_parallel>], iteration_bounds = array<i64: 2, 16>, scalar_prefetch = 0 : i64, scratch_operands = 3 : i64, tpu.core_type = #tpu.core_type<sc_vector_subcore>, window_params = [{transform_indices = #map}, {transform_indices = #map1}, {transform_indices = #map}]} {
    %mul3A = arith.constant 2 : i32
    %mul3A_0 = arith.muli %arg1, %mul3A : i32
    %add3A = arith.addi %mul3A_0, %arg0 : i32
    %mul3A_1 = arith.constant 6144 : i32
    %mul3A_2 = arith.muli %add3A, %mul3A_1 : i32
    "tpu.region"() ({
      %run_scoped3A = tpu.sem_alloc : memref<!tpu.dma_semaphore, #tpu.memory_space<semaphore_mem>>
      %dma_start3A_7 = tpu.memref_slice %arg3[%mul3A_2] : memref<196608xi32, #tpu.memory_space<hbm>> -> memref<6144xi32, #tpu.memory_space<hbm>>
      %dma_start3A_8 = tpu.memref_slice %arg3[%mul3A_2] : memref<196608xi32, #tpu.memory_space<hbm>> -> memref<6144xi32, #tpu.memory_space<hbm>>
      tpu.enqueue_dma source(%dma_start3A_8 : memref<6144xi32, #tpu.memory_space<hbm>>) target(%arg5 : memref<6144xi32, #tpu.memory_space<vmem>>) target_semaphore(%run_scoped3A : memref<!tpu.dma_semaphore, #tpu.memory_space<semaphore_mem>>)
      %dma_wait3A_9 = tpu.memref_slice %arg3[%mul3A_2] : memref<196608xi32, #tpu.memory_space<hbm>> -> memref<6144xi32, #tpu.memory_space<hbm>>
      %dma_wait3A_10 = tpu.memref_slice %arg3[%mul3A_2] : memref<196608xi32, #tpu.memory_space<hbm>> -> memref<6144xi32, #tpu.memory_space<hbm>>
      tpu.wait_dma2 semaphore(%run_scoped3A : memref<!tpu.dma_semaphore, #tpu.memory_space<semaphore_mem>>) src(%dma_wait3A_10 : memref<6144xi32, #tpu.memory_space<hbm>>) dst(%arg5 : memref<6144xi32, #tpu.memory_space<vmem>>)
      tpu.yield
    }) : () -> ()
    %dma_start3A = arith.constant 0 : i32
    %dma_start3A_3 = arith.constant 0 : i32
    %dma_start3A_4 = tpu.memref_slice %arg2[%dma_start3A, %dma_start3A_3] : memref<196608x16xf32, #tpu.memory_space<hbm>> -> memref<196608x16xf32, #tpu.memory_space<hbm>>
    tpu.enqueue_indirect_dma source(%dma_start3A_4 : memref<196608x16xf32, #tpu.memory_space<hbm>>) target(%arg6 : memref<6144x16xf32, #tpu.memory_space<vmem>>) offsets(%arg5 : memref<6144xi32, #tpu.memory_space<vmem>>) semaphore(%arg7 : memref<!tpu.dma_semaphore, #tpu.memory_space<semaphore_mem>>)
    %dma_wait3A = arith.constant 0 : i32
    %dma_wait3A_5 = arith.constant 0 : i32
    %dma_wait3A_6 = tpu.memref_slice %arg2[%dma_wait3A, %dma_wait3A_5] : memref<196608x16xf32, #tpu.memory_space<hbm>> -> memref<196608x16xf32, #tpu.memory_space<hbm>>
    tpu.wait_indirect_dma semaphore(%arg7 : memref<!tpu.dma_semaphore, #tpu.memory_space<semaphore_mem>>) src(%dma_wait3A_6 : memref<196608x16xf32, #tpu.memory_space<hbm>>) dst(%arg6 : memref<6144x16xf32, #tpu.memory_space<vmem>>)
    "tpu.region"() ({
      %run_scoped3A = tpu.sem_alloc : memref<!tpu.dma_semaphore, #tpu.memory_space<semaphore_mem>>
      %dma_start3A_7 = arith.constant 0 : i32
      %dma_start3A_8 = tpu.memref_slice %arg4[%mul3A_2, %dma_start3A_7] : memref<196608x16xf32, #tpu.memory_space<hbm>> -> memref<6144x16xf32, #tpu.memory_space<hbm>>
      %dma_start3A_9 = arith.constant 0 : i32
      %dma_start3A_10 = tpu.memref_slice %arg4[%mul3A_2, %dma_start3A_9] : memref<196608x16xf32, #tpu.memory_space<hbm>> -> memref<6144x16xf32, #tpu.memory_space<hbm>>
      tpu.enqueue_dma source(%arg6 : memref<6144x16xf32, #tpu.memory_space<vmem>>) target(%dma_start3A_10 : memref<6144x16xf32, #tpu.memory_space<hbm>>) target_semaphore(%run_scoped3A : memref<!tpu.dma_semaphore, #tpu.memory_space<semaphore_mem>>)
      %dma_wait3A_11 = arith.constant 0 : i32
      %dma_wait3A_12 = tpu.memref_slice %arg4[%mul3A_2, %dma_wait3A_11] : memref<196608x16xf32, #tpu.memory_space<hbm>> -> memref<6144x16xf32, #tpu.memory_space<hbm>>
      %dma_wait3A_13 = arith.constant 0 : i32
      %dma_wait3A_14 = tpu.memref_slice %arg4[%mul3A_2, %dma_wait3A_13] : memref<196608x16xf32, #tpu.memory_space<hbm>> -> memref<6144x16xf32, #tpu.memory_space<hbm>>
      tpu.wait_dma2 semaphore(%run_scoped3A : memref<!tpu.dma_semaphore, #tpu.memory_space<semaphore_mem>>) src(%arg6 : memref<6144x16xf32, #tpu.memory_space<vmem>>) dst(%dma_wait3A_14 : memref<6144x16xf32, #tpu.memory_space<hbm>>)
      tpu.yield
    }) : () -> ()
    return
  }
}

module attributes {stable_mosaic.version = 14 : i64} {
  func.func @_main_body(%arg0: i32, %arg1: memref<1024x768xf32, #tpu.memory_space<vmem>>, %arg2: memref<768x128xf32, #tpu.memory_space<vmem>>, %arg3: memref<1x128xf32, #tpu.memory_space<vmem>>, %arg4: memref<128x128xf32, #tpu.memory_space<vmem>>, %arg5: memref<1x128xf32, #tpu.memory_space<vmem>>, %arg6: memref<128x128xf32, #tpu.memory_space<vmem>>, %arg7: memref<1x128xf32, #tpu.memory_space<vmem>>, %arg8: memref<128x128xf32, #tpu.memory_space<vmem>>, %arg9: memref<1x128xf32, #tpu.memory_space<vmem>>, %arg10: memref<128x128xf32, #tpu.memory_space<vmem>>, %arg11: memref<1x128xf32, #tpu.memory_space<vmem>>, %arg12: memref<1x128xf32, #tpu.memory_space<vmem>>, %arg13: memref<1x128xf32, #tpu.memory_space<vmem>>, %arg14: memref<128x2048xf32, #tpu.memory_space<vmem>>, %arg15: memref<1x2048xf32, #tpu.memory_space<vmem>>, %arg16: memref<2048x128xf32, #tpu.memory_space<vmem>>, %arg17: memref<1x128xf32, #tpu.memory_space<vmem>>, %arg18: memref<1x128xf32, #tpu.memory_space<vmem>>, %arg19: memref<1x128xf32, #tpu.memory_space<vmem>>, %arg20: memref<128x64xf32, #tpu.memory_space<vmem>>, %arg21: memref<1x64xf32, #tpu.memory_space<vmem>>, %arg22: memref<1024x256xf32, #tpu.memory_space<vmem>>, %arg23: memref<4096x1xi32, #tpu.memory_space<vmem>>, %arg24: memref<1x64xi32, #tpu.memory_space<vmem>>, %arg25: memref<1x8xi32, #tpu.memory_space<vmem>>, %arg26: memref<1x8xi32, #tpu.memory_space<vmem>>, %arg27: memref<1x1xf32, #tpu.memory_space<vmem>>, %arg28: memref<1x64xf32, #tpu.memory_space<vmem>>, %arg29: memref<1x64xf32, #tpu.memory_space<vmem>>, %arg30: memref<4096x1xi32, #tpu.memory_space<vmem>>, %arg31: memref<1024x128xf32, #tpu.memory_space<vmem>>) attributes {dimension_semantics = [#tpu.dimension_semantics<arbitrary>], iteration_bounds = array<i64: 4>, scalar_prefetch = 0 : i64, scratch_operands = 4 : i64, tpu.core_type = #tpu.core_type<tc>, window_params = [{transform_indices = @transform_0, window_bounds = array<i64: 1024, 768>}, {pipeline_mode = #tpu.pipeline_mode<synchronous>, transform_indices = @transform_1, window_bounds = array<i64: 768, 128>}, {pipeline_mode = #tpu.pipeline_mode<synchronous>, transform_indices = @transform_2, window_bounds = array<i64: 1, 128>}, {pipeline_mode = #tpu.pipeline_mode<synchronous>, transform_indices = @transform_3, window_bounds = array<i64: 128, 128>}, {pipeline_mode = #tpu.pipeline_mode<synchronous>, transform_indices = @transform_4, window_bounds = array<i64: 1, 128>}, {pipeline_mode = #tpu.pipeline_mode<synchronous>, transform_indices = @transform_5, window_bounds = array<i64: 128, 128>}, {pipeline_mode = #tpu.pipeline_mode<synchronous>, transform_indices = @transform_6, window_bounds = array<i64: 1, 128>}, {pipeline_mode = #tpu.pipeline_mode<synchronous>, transform_indices = @transform_7, window_bounds = array<i64: 128, 128>}, {pipeline_mode = #tpu.pipeline_mode<synchronous>, transform_indices = @transform_8, window_bounds = array<i64: 1, 128>}, {pipeline_mode = #tpu.pipeline_mode<synchronous>, transform_indices = @transform_9, window_bounds = array<i64: 128, 128>}, {pipeline_mode = #tpu.pipeline_mode<synchronous>, transform_indices = @transform_10, window_bounds = array<i64: 1, 128>}, {pipeline_mode = #tpu.pipeline_mode<synchronous>, transform_indices = @transform_11, window_bounds = array<i64: 1, 128>}, {pipeline_mode = #tpu.pipeline_mode<synchronous>, transform_indices = @transform_12, window_bounds = array<i64: 1, 128>}, {pipeline_mode = #tpu.pipeline_mode<synchronous>, transform_indices = @transform_13, window_bounds = array<i64: 128, 2048>}, {pipeline_mode = #tpu.pipeline_mode<synchronous>, transform_indices = @transform_14, window_bounds = array<i64: 1, 2048>}, {pipeline_mode = #tpu.pipeline_mode<synchronous>, transform_indices = @transform_15, window_bounds = array<i64: 2048, 128>}, {pipeline_mode = #tpu.pipeline_mode<synchronous>, transform_indices = @transform_16, window_bounds = array<i64: 1, 128>}, {pipeline_mode = #tpu.pipeline_mode<synchronous>, transform_indices = @transform_17, window_bounds = array<i64: 1, 128>}, {pipeline_mode = #tpu.pipeline_mode<synchronous>, transform_indices = @transform_18, window_bounds = array<i64: 1, 128>}, {pipeline_mode = #tpu.pipeline_mode<synchronous>, transform_indices = @transform_19, window_bounds = array<i64: 128, 64>}, {pipeline_mode = #tpu.pipeline_mode<synchronous>, transform_indices = @transform_20, window_bounds = array<i64: 1, 64>}, {transform_indices = @transform_21, window_bounds = array<i64: 1024, 256>}, {pipeline_mode = #tpu.pipeline_mode<synchronous>, transform_indices = @transform_22, window_bounds = array<i64: 4096, 1>}, {pipeline_mode = #tpu.pipeline_mode<synchronous>, transform_indices = @transform_23, window_bounds = array<i64: 1, 64>}, {pipeline_mode = #tpu.pipeline_mode<synchronous>, transform_indices = @transform_24, window_bounds = array<i64: 1, 8>}, {pipeline_mode = #tpu.pipeline_mode<synchronous>, transform_indices = @transform_25, window_bounds = array<i64: 1, 8>}, {pipeline_mode = #tpu.pipeline_mode<synchronous>, transform_indices = @transform_26, window_bounds = array<i64: 1, 1>}]} {
    %get3A = arith.constant 0 : index
    %get3A_0 = arith.constant 0 : index
    %get3A_1 = vector.load %arg1[%get3A, %get3A_0] : memref<1024x768xf32, #tpu.memory_space<vmem>>, vector<1024x768xf32>
    %get3A_2 = arith.constant 0 : index
    %get3A_3 = arith.constant 0 : index
    %get3A_4 = vector.load %arg2[%get3A_2, %get3A_3] : memref<768x128xf32, #tpu.memory_space<vmem>>, vector<768x128xf32>
    %dot_general3A = arith.constant dense<0.000000e+00> : vector<1024x128xf32>
    %dot_general3A_5 = tpu.matmul %get3A_1, %get3A_4, %dot_general3A {dimension_numbers = #tpu.dot_dimension_numbers<[1], [0], [0], [1], [0, 0, 1, 1], [], []>, transpose_lhs_hint = false} : vector<1024x768xf32>, vector<768x128xf32>, vector<1024x128xf32> -> vector<1024x128xf32>
    %get3A_6 = arith.constant 0 : index
    %get3A_7 = arith.constant 0 : index
    %get3A_8 = vector.load %arg3[%get3A_6, %get3A_7] : memref<1x128xf32, #tpu.memory_space<vmem>>, vector<1x128xf32>
    %add3A = vector.broadcast %get3A_8 : vector<1x128xf32> to vector<1024x128xf32>
    %add3A_9 = arith.addf %dot_general3A_5, %add3A : vector<1024x128xf32>
    %get3A_10 = arith.constant 0 : index
    %get3A_11 = arith.constant 0 : index
    %get3A_12 = vector.load %arg4[%get3A_10, %get3A_11] : memref<128x128xf32, #tpu.memory_space<vmem>>, vector<128x128xf32>
    %dot_general3A_13 = arith.constant dense<0.000000e+00> : vector<1024x128xf32>
    %dot_general3A_14 = tpu.matmul %add3A_9, %get3A_12, %dot_general3A_13 {dimension_numbers = #tpu.dot_dimension_numbers<[1], [0], [0], [1], [0, 0, 1, 1], [], []>, transpose_lhs_hint = false} : vector<1024x128xf32>, vector<128x128xf32>, vector<1024x128xf32> -> vector<1024x128xf32>
    %get3A_15 = arith.constant 0 : index
    %get3A_16 = arith.constant 0 : index
    %get3A_17 = vector.load %arg5[%get3A_15, %get3A_16] : memref<1x128xf32, #tpu.memory_space<vmem>>, vector<1x128xf32>
    %add3A_18 = vector.broadcast %get3A_17 : vector<1x128xf32> to vector<1024x128xf32>
    %add3A_19 = arith.addf %dot_general3A_14, %add3A_18 : vector<1024x128xf32>
    %mul3A = arith.constant 2.500000e-01 : f32
    %mul3A_20 = vector.broadcast %mul3A : f32 to vector<1024x128xf32>
    %mul3A_21 = arith.mulf %add3A_19, %mul3A_20 : vector<1024x128xf32>
    %get3A_22 = arith.constant 0 : index
    %get3A_23 = arith.constant 0 : index
    %get3A_24 = vector.load %arg6[%get3A_22, %get3A_23] : memref<128x128xf32, #tpu.memory_space<vmem>>, vector<128x128xf32>
    %dot_general3A_25 = arith.constant dense<0.000000e+00> : vector<1024x128xf32>
    %dot_general3A_26 = tpu.matmul %add3A_9, %get3A_24, %dot_general3A_25 {dimension_numbers = #tpu.dot_dimension_numbers<[1], [0], [0], [1], [0, 0, 1, 1], [], []>, transpose_lhs_hint = false} : vector<1024x128xf32>, vector<128x128xf32>, vector<1024x128xf32> -> vector<1024x128xf32>
    %get3A_27 = arith.constant 0 : index
    %get3A_28 = arith.constant 0 : index
    %get3A_29 = vector.load %arg7[%get3A_27, %get3A_28] : memref<1x128xf32, #tpu.memory_space<vmem>>, vector<1x128xf32>
    %add3A_30 = vector.broadcast %get3A_29 : vector<1x128xf32> to vector<1024x128xf32>
    %add3A_31 = arith.addf %dot_general3A_26, %add3A_30 : vector<1024x128xf32>
    %get3A_32 = arith.constant 0 : index
    %get3A_33 = arith.constant 0 : index
    %get3A_34 = vector.load %arg8[%get3A_32, %get3A_33] : memref<128x128xf32, #tpu.memory_space<vmem>>, vector<128x128xf32>
    %dot_general3A_35 = arith.constant dense<0.000000e+00> : vector<1024x128xf32>
    %dot_general3A_36 = tpu.matmul %add3A_9, %get3A_34, %dot_general3A_35 {dimension_numbers = #tpu.dot_dimension_numbers<[1], [0], [0], [1], [0, 0, 1, 1], [], []>, transpose_lhs_hint = false} : vector<1024x128xf32>, vector<128x128xf32>, vector<1024x128xf32> -> vector<1024x128xf32>
    %get3A_37 = arith.constant 0 : index
    %get3A_38 = arith.constant 0 : index
    %get3A_39 = vector.load %arg9[%get3A_37, %get3A_38] : memref<1x128xf32, #tpu.memory_space<vmem>>, vector<1x128xf32>
    %add3A_40 = vector.broadcast %get3A_39 : vector<1x128xf32> to vector<1024x128xf32>
    %add3A_41 = arith.addf %dot_general3A_36, %add3A_40 : vector<1024x128xf32>
    %slice3A = vector.extract_strided_slice %mul3A_21 {offsets = [0, 0], sizes = [1024, 16], strides = [1, 1]} : vector<1024x128xf32> to vector<1024x16xf32>
    %slice3A_42 = vector.extract_strided_slice %add3A_31 {offsets = [0, 0], sizes = [1024, 16], strides = [1, 1]} : vector<1024x128xf32> to vector<1024x16xf32>
    %slice3A_43 = vector.extract_strided_slice %add3A_41 {offsets = [0, 0], sizes = [1024, 16], strides = [1, 1]} : vector<1024x128xf32> to vector<1024x16xf32>
    %dot_general3A_44 = arith.constant dense<0.000000e+00> : vector<1024x1024xf32>
    %dot_general3A_45 = tpu.matmul %slice3A, %slice3A_42, %dot_general3A_44 {dimension_numbers = #tpu.dot_dimension_numbers<[1], [1], [0], [0], [0, 0, 1, 0], [], []>, transpose_lhs_hint = false} : vector<1024x16xf32>, vector<1024x16xf32>, vector<1024x1024xf32> -> vector<1024x1024xf32>
    %exp3A = math.exp %dot_general3A_45 : vector<1024x1024xf32>
    %reduce_sum3A = arith.constant dense<0.000000e+00> : vector<1024xf32>
    %reduce_sum3A_46 = vector.multi_reduction <add>, %exp3A, %reduce_sum3A [1] : vector<1024x1024xf32> to vector<1024xf32>
    %broadcast_in_dim3A = vector.shape_cast %reduce_sum3A_46 : vector<1024xf32> to vector<1024x1xf32>
    %div3A = arith.constant 1.000000e+00 : f32
    %div3A_47 = vector.broadcast %div3A : f32 to vector<1024x1xf32>
    %div3A_48 = arith.divf %div3A_47, %broadcast_in_dim3A : vector<1024x1xf32>
    %dot_general3A_49 = arith.constant dense<0.000000e+00> : vector<1024x16xf32>
    %dot_general3A_50 = tpu.matmul %exp3A, %slice3A_43, %dot_general3A_49 {dimension_numbers = #tpu.dot_dimension_numbers<[1], [0], [0], [1], [0, 0, 1, 1], [], []>, transpose_lhs_hint = false} : vector<1024x1024xf32>, vector<1024x16xf32>, vector<1024x16xf32> -> vector<1024x16xf32>
    %mul3A_51 = vector.broadcast %div3A_48 : vector<1024x1xf32> to vector<1024x16xf32>
    %mul3A_52 = arith.mulf %dot_general3A_50, %mul3A_51 : vector<1024x16xf32>
    %slice3A_53 = vector.extract_strided_slice %mul3A_21 {offsets = [0, 16], sizes = [1024, 16], strides = [1, 1]} : vector<1024x128xf32> to vector<1024x16xf32>
    %slice3A_54 = vector.extract_strided_slice %add3A_31 {offsets = [0, 16], sizes = [1024, 16], strides = [1, 1]} : vector<1024x128xf32> to vector<1024x16xf32>
    %slice3A_55 = vector.extract_strided_slice %add3A_41 {offsets = [0, 16], sizes = [1024, 16], strides = [1, 1]} : vector<1024x128xf32> to vector<1024x16xf32>
    %dot_general3A_56 = arith.constant dense<0.000000e+00> : vector<1024x1024xf32>
    %dot_general3A_57 = tpu.matmul %slice3A_53, %slice3A_54, %dot_general3A_56 {dimension_numbers = #tpu.dot_dimension_numbers<[1], [1], [0], [0], [0, 0, 1, 0], [], []>, transpose_lhs_hint = false} : vector<1024x16xf32>, vector<1024x16xf32>, vector<1024x1024xf32> -> vector<1024x1024xf32>
    %exp3A_58 = math.exp %dot_general3A_57 : vector<1024x1024xf32>
    %reduce_sum3A_59 = arith.constant dense<0.000000e+00> : vector<1024xf32>
    %reduce_sum3A_60 = vector.multi_reduction <add>, %exp3A_58, %reduce_sum3A_59 [1] : vector<1024x1024xf32> to vector<1024xf32>
    %broadcast_in_dim3A_61 = vector.shape_cast %reduce_sum3A_60 : vector<1024xf32> to vector<1024x1xf32>
    %div3A_62 = arith.constant 1.000000e+00 : f32
    %div3A_63 = vector.broadcast %div3A_62 : f32 to vector<1024x1xf32>
    %div3A_64 = arith.divf %div3A_63, %broadcast_in_dim3A_61 : vector<1024x1xf32>
    %dot_general3A_65 = arith.constant dense<0.000000e+00> : vector<1024x16xf32>
    %dot_general3A_66 = tpu.matmul %exp3A_58, %slice3A_55, %dot_general3A_65 {dimension_numbers = #tpu.dot_dimension_numbers<[1], [0], [0], [1], [0, 0, 1, 1], [], []>, transpose_lhs_hint = false} : vector<1024x1024xf32>, vector<1024x16xf32>, vector<1024x16xf32> -> vector<1024x16xf32>
    %mul3A_67 = vector.broadcast %div3A_64 : vector<1024x1xf32> to vector<1024x16xf32>
    %mul3A_68 = arith.mulf %dot_general3A_66, %mul3A_67 : vector<1024x16xf32>
    %slice3A_69 = vector.extract_strided_slice %mul3A_21 {offsets = [0, 32], sizes = [1024, 16], strides = [1, 1]} : vector<1024x128xf32> to vector<1024x16xf32>
    %slice3A_70 = vector.extract_strided_slice %add3A_31 {offsets = [0, 32], sizes = [1024, 16], strides = [1, 1]} : vector<1024x128xf32> to vector<1024x16xf32>
    %slice3A_71 = vector.extract_strided_slice %add3A_41 {offsets = [0, 32], sizes = [1024, 16], strides = [1, 1]} : vector<1024x128xf32> to vector<1024x16xf32>
    %dot_general3A_72 = arith.constant dense<0.000000e+00> : vector<1024x1024xf32>
    %dot_general3A_73 = tpu.matmul %slice3A_69, %slice3A_70, %dot_general3A_72 {dimension_numbers = #tpu.dot_dimension_numbers<[1], [1], [0], [0], [0, 0, 1, 0], [], []>, transpose_lhs_hint = false} : vector<1024x16xf32>, vector<1024x16xf32>, vector<1024x1024xf32> -> vector<1024x1024xf32>
    %exp3A_74 = math.exp %dot_general3A_73 : vector<1024x1024xf32>
    %reduce_sum3A_75 = arith.constant dense<0.000000e+00> : vector<1024xf32>
    %reduce_sum3A_76 = vector.multi_reduction <add>, %exp3A_74, %reduce_sum3A_75 [1] : vector<1024x1024xf32> to vector<1024xf32>
    %broadcast_in_dim3A_77 = vector.shape_cast %reduce_sum3A_76 : vector<1024xf32> to vector<1024x1xf32>
    %div3A_78 = arith.constant 1.000000e+00 : f32
    %div3A_79 = vector.broadcast %div3A_78 : f32 to vector<1024x1xf32>
    %div3A_80 = arith.divf %div3A_79, %broadcast_in_dim3A_77 : vector<1024x1xf32>
    %dot_general3A_81 = arith.constant dense<0.000000e+00> : vector<1024x16xf32>
    %dot_general3A_82 = tpu.matmul %exp3A_74, %slice3A_71, %dot_general3A_81 {dimension_numbers = #tpu.dot_dimension_numbers<[1], [0], [0], [1], [0, 0, 1, 1], [], []>, transpose_lhs_hint = false} : vector<1024x1024xf32>, vector<1024x16xf32>, vector<1024x16xf32> -> vector<1024x16xf32>
    %mul3A_83 = vector.broadcast %div3A_80 : vector<1024x1xf32> to vector<1024x16xf32>
    %mul3A_84 = arith.mulf %dot_general3A_82, %mul3A_83 : vector<1024x16xf32>
    %slice3A_85 = vector.extract_strided_slice %mul3A_21 {offsets = [0, 48], sizes = [1024, 16], strides = [1, 1]} : vector<1024x128xf32> to vector<1024x16xf32>
    %slice3A_86 = vector.extract_strided_slice %add3A_31 {offsets = [0, 48], sizes = [1024, 16], strides = [1, 1]} : vector<1024x128xf32> to vector<1024x16xf32>
    %slice3A_87 = vector.extract_strided_slice %add3A_41 {offsets = [0, 48], sizes = [1024, 16], strides = [1, 1]} : vector<1024x128xf32> to vector<1024x16xf32>
    %dot_general3A_88 = arith.constant dense<0.000000e+00> : vector<1024x1024xf32>
    %dot_general3A_89 = tpu.matmul %slice3A_85, %slice3A_86, %dot_general3A_88 {dimension_numbers = #tpu.dot_dimension_numbers<[1], [1], [0], [0], [0, 0, 1, 0], [], []>, transpose_lhs_hint = false} : vector<1024x16xf32>, vector<1024x16xf32>, vector<1024x1024xf32> -> vector<1024x1024xf32>
    %exp3A_90 = math.exp %dot_general3A_89 : vector<1024x1024xf32>
    %reduce_sum3A_91 = arith.constant dense<0.000000e+00> : vector<1024xf32>
    %reduce_sum3A_92 = vector.multi_reduction <add>, %exp3A_90, %reduce_sum3A_91 [1] : vector<1024x1024xf32> to vector<1024xf32>
    %broadcast_in_dim3A_93 = vector.shape_cast %reduce_sum3A_92 : vector<1024xf32> to vector<1024x1xf32>
    %div3A_94 = arith.constant 1.000000e+00 : f32
    %div3A_95 = vector.broadcast %div3A_94 : f32 to vector<1024x1xf32>
    %div3A_96 = arith.divf %div3A_95, %broadcast_in_dim3A_93 : vector<1024x1xf32>
    %dot_general3A_97 = arith.constant dense<0.000000e+00> : vector<1024x16xf32>
    %dot_general3A_98 = tpu.matmul %exp3A_90, %slice3A_87, %dot_general3A_97 {dimension_numbers = #tpu.dot_dimension_numbers<[1], [0], [0], [1], [0, 0, 1, 1], [], []>, transpose_lhs_hint = false} : vector<1024x1024xf32>, vector<1024x16xf32>, vector<1024x16xf32> -> vector<1024x16xf32>
    %mul3A_99 = vector.broadcast %div3A_96 : vector<1024x1xf32> to vector<1024x16xf32>
    %mul3A_100 = arith.mulf %dot_general3A_98, %mul3A_99 : vector<1024x16xf32>
    %slice3A_101 = vector.extract_strided_slice %mul3A_21 {offsets = [0, 64], sizes = [1024, 16], strides = [1, 1]} : vector<1024x128xf32> to vector<1024x16xf32>
    %slice3A_102 = vector.extract_strided_slice %add3A_31 {offsets = [0, 64], sizes = [1024, 16], strides = [1, 1]} : vector<1024x128xf32> to vector<1024x16xf32>
    %slice3A_103 = vector.extract_strided_slice %add3A_41 {offsets = [0, 64], sizes = [1024, 16], strides = [1, 1]} : vector<1024x128xf32> to vector<1024x16xf32>
    %dot_general3A_104 = arith.constant dense<0.000000e+00> : vector<1024x1024xf32>
    %dot_general3A_105 = tpu.matmul %slice3A_101, %slice3A_102, %dot_general3A_104 {dimension_numbers = #tpu.dot_dimension_numbers<[1], [1], [0], [0], [0, 0, 1, 0], [], []>, transpose_lhs_hint = false} : vector<1024x16xf32>, vector<1024x16xf32>, vector<1024x1024xf32> -> vector<1024x1024xf32>
    %exp3A_106 = math.exp %dot_general3A_105 : vector<1024x1024xf32>
    %reduce_sum3A_107 = arith.constant dense<0.000000e+00> : vector<1024xf32>
    %reduce_sum3A_108 = vector.multi_reduction <add>, %exp3A_106, %reduce_sum3A_107 [1] : vector<1024x1024xf32> to vector<1024xf32>
    %broadcast_in_dim3A_109 = vector.shape_cast %reduce_sum3A_108 : vector<1024xf32> to vector<1024x1xf32>
    %div3A_110 = arith.constant 1.000000e+00 : f32
    %div3A_111 = vector.broadcast %div3A_110 : f32 to vector<1024x1xf32>
    %div3A_112 = arith.divf %div3A_111, %broadcast_in_dim3A_109 : vector<1024x1xf32>
    %dot_general3A_113 = arith.constant dense<0.000000e+00> : vector<1024x16xf32>
    %dot_general3A_114 = tpu.matmul %exp3A_106, %slice3A_103, %dot_general3A_113 {dimension_numbers = #tpu.dot_dimension_numbers<[1], [0], [0], [1], [0, 0, 1, 1], [], []>, transpose_lhs_hint = false} : vector<1024x1024xf32>, vector<1024x16xf32>, vector<1024x16xf32> -> vector<1024x16xf32>
    %mul3A_115 = vector.broadcast %div3A_112 : vector<1024x1xf32> to vector<1024x16xf32>
    %mul3A_116 = arith.mulf %dot_general3A_114, %mul3A_115 : vector<1024x16xf32>
    %slice3A_117 = vector.extract_strided_slice %mul3A_21 {offsets = [0, 80], sizes = [1024, 16], strides = [1, 1]} : vector<1024x128xf32> to vector<1024x16xf32>
    %slice3A_118 = vector.extract_strided_slice %add3A_31 {offsets = [0, 80], sizes = [1024, 16], strides = [1, 1]} : vector<1024x128xf32> to vector<1024x16xf32>
    %slice3A_119 = vector.extract_strided_slice %add3A_41 {offsets = [0, 80], sizes = [1024, 16], strides = [1, 1]} : vector<1024x128xf32> to vector<1024x16xf32>
    %dot_general3A_120 = arith.constant dense<0.000000e+00> : vector<1024x1024xf32>
    %dot_general3A_121 = tpu.matmul %slice3A_117, %slice3A_118, %dot_general3A_120 {dimension_numbers = #tpu.dot_dimension_numbers<[1], [1], [0], [0], [0, 0, 1, 0], [], []>, transpose_lhs_hint = false} : vector<1024x16xf32>, vector<1024x16xf32>, vector<1024x1024xf32> -> vector<1024x1024xf32>
    %exp3A_122 = math.exp %dot_general3A_121 : vector<1024x1024xf32>
    %reduce_sum3A_123 = arith.constant dense<0.000000e+00> : vector<1024xf32>
    %reduce_sum3A_124 = vector.multi_reduction <add>, %exp3A_122, %reduce_sum3A_123 [1] : vector<1024x1024xf32> to vector<1024xf32>
    %broadcast_in_dim3A_125 = vector.shape_cast %reduce_sum3A_124 : vector<1024xf32> to vector<1024x1xf32>
    %div3A_126 = arith.constant 1.000000e+00 : f32
    %div3A_127 = vector.broadcast %div3A_126 : f32 to vector<1024x1xf32>
    %div3A_128 = arith.divf %div3A_127, %broadcast_in_dim3A_125 : vector<1024x1xf32>
    %dot_general3A_129 = arith.constant dense<0.000000e+00> : vector<1024x16xf32>
    %dot_general3A_130 = tpu.matmul %exp3A_122, %slice3A_119, %dot_general3A_129 {dimension_numbers = #tpu.dot_dimension_numbers<[1], [0], [0], [1], [0, 0, 1, 1], [], []>, transpose_lhs_hint = false} : vector<1024x1024xf32>, vector<1024x16xf32>, vector<1024x16xf32> -> vector<1024x16xf32>
    %mul3A_131 = vector.broadcast %div3A_128 : vector<1024x1xf32> to vector<1024x16xf32>
    %mul3A_132 = arith.mulf %dot_general3A_130, %mul3A_131 : vector<1024x16xf32>
    %slice3A_133 = vector.extract_strided_slice %mul3A_21 {offsets = [0, 96], sizes = [1024, 16], strides = [1, 1]} : vector<1024x128xf32> to vector<1024x16xf32>
    %slice3A_134 = vector.extract_strided_slice %add3A_31 {offsets = [0, 96], sizes = [1024, 16], strides = [1, 1]} : vector<1024x128xf32> to vector<1024x16xf32>
    %slice3A_135 = vector.extract_strided_slice %add3A_41 {offsets = [0, 96], sizes = [1024, 16], strides = [1, 1]} : vector<1024x128xf32> to vector<1024x16xf32>
    %dot_general3A_136 = arith.constant dense<0.000000e+00> : vector<1024x1024xf32>
    %dot_general3A_137 = tpu.matmul %slice3A_133, %slice3A_134, %dot_general3A_136 {dimension_numbers = #tpu.dot_dimension_numbers<[1], [1], [0], [0], [0, 0, 1, 0], [], []>, transpose_lhs_hint = false} : vector<1024x16xf32>, vector<1024x16xf32>, vector<1024x1024xf32> -> vector<1024x1024xf32>
    %exp3A_138 = math.exp %dot_general3A_137 : vector<1024x1024xf32>
    %reduce_sum3A_139 = arith.constant dense<0.000000e+00> : vector<1024xf32>
    %reduce_sum3A_140 = vector.multi_reduction <add>, %exp3A_138, %reduce_sum3A_139 [1] : vector<1024x1024xf32> to vector<1024xf32>
    %broadcast_in_dim3A_141 = vector.shape_cast %reduce_sum3A_140 : vector<1024xf32> to vector<1024x1xf32>
    %div3A_142 = arith.constant 1.000000e+00 : f32
    %div3A_143 = vector.broadcast %div3A_142 : f32 to vector<1024x1xf32>
    %div3A_144 = arith.divf %div3A_143, %broadcast_in_dim3A_141 : vector<1024x1xf32>
    %dot_general3A_145 = arith.constant dense<0.000000e+00> : vector<1024x16xf32>
    %dot_general3A_146 = tpu.matmul %exp3A_138, %slice3A_135, %dot_general3A_145 {dimension_numbers = #tpu.dot_dimension_numbers<[1], [0], [0], [1], [0, 0, 1, 1], [], []>, transpose_lhs_hint = false} : vector<1024x1024xf32>, vector<1024x16xf32>, vector<1024x16xf32> -> vector<1024x16xf32>
    %mul3A_147 = vector.broadcast %div3A_144 : vector<1024x1xf32> to vector<1024x16xf32>
    %mul3A_148 = arith.mulf %dot_general3A_146, %mul3A_147 : vector<1024x16xf32>
    %slice3A_149 = vector.extract_strided_slice %mul3A_21 {offsets = [0, 112], sizes = [1024, 16], strides = [1, 1]} : vector<1024x128xf32> to vector<1024x16xf32>
    %slice3A_150 = vector.extract_strided_slice %add3A_31 {offsets = [0, 112], sizes = [1024, 16], strides = [1, 1]} : vector<1024x128xf32> to vector<1024x16xf32>
    %slice3A_151 = vector.extract_strided_slice %add3A_41 {offsets = [0, 112], sizes = [1024, 16], strides = [1, 1]} : vector<1024x128xf32> to vector<1024x16xf32>
    %dot_general3A_152 = arith.constant dense<0.000000e+00> : vector<1024x1024xf32>
    %dot_general3A_153 = tpu.matmul %slice3A_149, %slice3A_150, %dot_general3A_152 {dimension_numbers = #tpu.dot_dimension_numbers<[1], [1], [0], [0], [0, 0, 1, 0], [], []>, transpose_lhs_hint = false} : vector<1024x16xf32>, vector<1024x16xf32>, vector<1024x1024xf32> -> vector<1024x1024xf32>
    %exp3A_154 = math.exp %dot_general3A_153 : vector<1024x1024xf32>
    %reduce_sum3A_155 = arith.constant dense<0.000000e+00> : vector<1024xf32>
    %reduce_sum3A_156 = vector.multi_reduction <add>, %exp3A_154, %reduce_sum3A_155 [1] : vector<1024x1024xf32> to vector<1024xf32>
    %broadcast_in_dim3A_157 = vector.shape_cast %reduce_sum3A_156 : vector<1024xf32> to vector<1024x1xf32>
    %div3A_158 = arith.constant 1.000000e+00 : f32
    %div3A_159 = vector.broadcast %div3A_158 : f32 to vector<1024x1xf32>
    %div3A_160 = arith.divf %div3A_159, %broadcast_in_dim3A_157 : vector<1024x1xf32>
    %dot_general3A_161 = arith.constant dense<0.000000e+00> : vector<1024x16xf32>
    %dot_general3A_162 = tpu.matmul %exp3A_154, %slice3A_151, %dot_general3A_161 {dimension_numbers = #tpu.dot_dimension_numbers<[1], [0], [0], [1], [0, 0, 1, 1], [], []>, transpose_lhs_hint = false} : vector<1024x1024xf32>, vector<1024x16xf32>, vector<1024x16xf32> -> vector<1024x16xf32>
    %mul3A_163 = vector.broadcast %div3A_160 : vector<1024x1xf32> to vector<1024x16xf32>
    %mul3A_164 = arith.mulf %dot_general3A_162, %mul3A_163 : vector<1024x16xf32>
    %concatenate3A = tpu.concatenate %mul3A_52, %mul3A_68, %mul3A_84, %mul3A_100, %mul3A_116, %mul3A_132, %mul3A_148, %mul3A_164 in 1 : vector<1024x16xf32>, vector<1024x16xf32>, vector<1024x16xf32>, vector<1024x16xf32>, vector<1024x16xf32>, vector<1024x16xf32>, vector<1024x16xf32>, vector<1024x16xf32> -> vector<1024x128xf32>
    %get3A_165 = arith.constant 0 : index
    %get3A_166 = arith.constant 0 : index
    %get3A_167 = vector.load %arg10[%get3A_165, %get3A_166] : memref<128x128xf32, #tpu.memory_space<vmem>>, vector<128x128xf32>
    %dot_general3A_168 = arith.constant dense<0.000000e+00> : vector<1024x128xf32>
    %dot_general3A_169 = tpu.matmul %concatenate3A, %get3A_167, %dot_general3A_168 {dimension_numbers = #tpu.dot_dimension_numbers<[1], [0], [0], [1], [0, 0, 1, 1], [], []>, transpose_lhs_hint = false} : vector<1024x128xf32>, vector<128x128xf32>, vector<1024x128xf32> -> vector<1024x128xf32>
    %add3A_170 = arith.addf %add3A_9, %dot_general3A_169 : vector<1024x128xf32>
    %get3A_171 = arith.constant 0 : index
    %get3A_172 = arith.constant 0 : index
    %get3A_173 = vector.load %arg11[%get3A_171, %get3A_172] : memref<1x128xf32, #tpu.memory_space<vmem>>, vector<1x128xf32>
    %add3A_174 = vector.broadcast %get3A_173 : vector<1x128xf32> to vector<1024x128xf32>
    %add3A_175 = arith.addf %add3A_170, %add3A_174 : vector<1024x128xf32>
    %get3A_176 = arith.constant 0 : index
    %get3A_177 = arith.constant 0 : index
    %get3A_178 = vector.load %arg12[%get3A_176, %get3A_177] : memref<1x128xf32, #tpu.memory_space<vmem>>, vector<1x128xf32>
    %get3A_179 = arith.constant 0 : index
    %get3A_180 = arith.constant 0 : index
    %get3A_181 = vector.load %arg13[%get3A_179, %get3A_180] : memref<1x128xf32, #tpu.memory_space<vmem>>, vector<1x128xf32>
    %reduce_sum3A_182 = arith.constant dense<0.000000e+00> : vector<1024xf32>
    %reduce_sum3A_183 = vector.multi_reduction <add>, %add3A_175, %reduce_sum3A_182 [1] : vector<1024x128xf32> to vector<1024xf32>
    %broadcast_in_dim3A_184 = vector.shape_cast %reduce_sum3A_183 : vector<1024xf32> to vector<1024x1xf32>
    %div3A_185 = arith.constant 1.280000e+02 : f32
    %div3A_186 = vector.broadcast %div3A_185 : f32 to vector<1024x1xf32>
    %div3A_187 = arith.divf %broadcast_in_dim3A_184, %div3A_186 : vector<1024x1xf32>
    %sub3A = vector.broadcast %div3A_187 : vector<1024x1xf32> to vector<1024x128xf32>
    %sub3A_188 = arith.subf %add3A_175, %sub3A : vector<1024x128xf32>
    %mul3A_189 = arith.mulf %sub3A_188, %sub3A_188 : vector<1024x128xf32>
    %reduce_sum3A_190 = arith.constant dense<0.000000e+00> : vector<1024xf32>
    %reduce_sum3A_191 = vector.multi_reduction <add>, %mul3A_189, %reduce_sum3A_190 [1] : vector<1024x128xf32> to vector<1024xf32>
    %broadcast_in_dim3A_192 = vector.shape_cast %reduce_sum3A_191 : vector<1024xf32> to vector<1024x1xf32>
    %div3A_193 = arith.constant 1.280000e+02 : f32
    %div3A_194 = vector.broadcast %div3A_193 : f32 to vector<1024x1xf32>
    %div3A_195 = arith.divf %broadcast_in_dim3A_192, %div3A_194 : vector<1024x1xf32>
    %add3A_196 = arith.constant 9.99999974E-6 : f32
    %add3A_197 = vector.broadcast %add3A_196 : f32 to vector<1024x1xf32>
    %add3A_198 = arith.addf %div3A_195, %add3A_197 : vector<1024x1xf32>
    %rsqrt3A = math.rsqrt %add3A_198 : vector<1024x1xf32>
    %mul3A_199 = vector.broadcast %rsqrt3A : vector<1024x1xf32> to vector<1024x128xf32>
    %mul3A_200 = arith.mulf %sub3A_188, %mul3A_199 : vector<1024x128xf32>
    %mul3A_201 = vector.broadcast %get3A_178 : vector<1x128xf32> to vector<1024x128xf32>
    %mul3A_202 = arith.mulf %mul3A_200, %mul3A_201 : vector<1024x128xf32>
    %add3A_203 = vector.broadcast %get3A_181 : vector<1x128xf32> to vector<1024x128xf32>
    %add3A_204 = arith.addf %mul3A_202, %add3A_203 : vector<1024x128xf32>
    %get3A_205 = arith.constant 0 : index
    %get3A_206 = arith.constant 0 : index
    %get3A_207 = vector.load %arg17[%get3A_205, %get3A_206] : memref<1x128xf32, #tpu.memory_space<vmem>>, vector<1x128xf32>
    %get3A_208 = arith.constant 0 : index
    %get3A_209 = arith.constant 0 : index
    %get3A_210 = vector.load %arg14[%get3A_208, %get3A_209] : memref<128x2048xf32, #tpu.memory_space<vmem>>, vector<128x512xf32>
    %dot_general3A_211 = arith.constant dense<0.000000e+00> : vector<1024x512xf32>
    %dot_general3A_212 = tpu.matmul %add3A_204, %get3A_210, %dot_general3A_211 {dimension_numbers = #tpu.dot_dimension_numbers<[1], [0], [0], [1], [0, 0, 1, 1], [], []>, transpose_lhs_hint = false} : vector<1024x128xf32>, vector<128x512xf32>, vector<1024x512xf32> -> vector<1024x512xf32>
    %get3A_213 = arith.constant 0 : index
    %get3A_214 = arith.constant 0 : index
    %get3A_215 = vector.load %arg15[%get3A_213, %get3A_214] : memref<1x2048xf32, #tpu.memory_space<vmem>>, vector<1x512xf32>
    %add3A_216 = vector.broadcast %get3A_215 : vector<1x512xf32> to vector<1024x512xf32>
    %add3A_217 = arith.addf %dot_general3A_212, %add3A_216 : vector<1024x512xf32>
    %max3A = arith.constant 0.000000e+00 : f32
    %max3A_218 = vector.broadcast %max3A : f32 to vector<1024x512xf32>
    %max3A_219 = arith.maximumf %add3A_217, %max3A_218 : vector<1024x512xf32>
    %get3A_220 = arith.constant 0 : index
    %get3A_221 = arith.constant 0 : index
    %get3A_222 = vector.load %arg16[%get3A_220, %get3A_221] : memref<2048x128xf32, #tpu.memory_space<vmem>>, vector<512x128xf32>
    %dot_general3A_223 = arith.constant dense<0.000000e+00> : vector<1024x128xf32>
    %dot_general3A_224 = tpu.matmul %max3A_219, %get3A_222, %dot_general3A_223 {dimension_numbers = #tpu.dot_dimension_numbers<[1], [0], [0], [1], [0, 0, 1, 1], [], []>, transpose_lhs_hint = false} : vector<1024x512xf32>, vector<512x128xf32>, vector<1024x128xf32> -> vector<1024x128xf32>
    %add3A_225 = vector.broadcast %get3A_207 : vector<1x128xf32> to vector<1024x128xf32>
    %add3A_226 = arith.addf %add3A_225, %dot_general3A_224 : vector<1024x128xf32>
    %get3A_227 = arith.constant 0 : index
    %get3A_228 = arith.constant 512 : index
    %get3A_229 = vector.load %arg14[%get3A_227, %get3A_228] : memref<128x2048xf32, #tpu.memory_space<vmem>>, vector<128x512xf32>
    %dot_general3A_230 = arith.constant dense<0.000000e+00> : vector<1024x512xf32>
    %dot_general3A_231 = tpu.matmul %add3A_204, %get3A_229, %dot_general3A_230 {dimension_numbers = #tpu.dot_dimension_numbers<[1], [0], [0], [1], [0, 0, 1, 1], [], []>, transpose_lhs_hint = false} : vector<1024x128xf32>, vector<128x512xf32>, vector<1024x512xf32> -> vector<1024x512xf32>
    %get3A_232 = arith.constant 0 : index
    %get3A_233 = arith.constant 512 : index
    %get3A_234 = vector.load %arg15[%get3A_232, %get3A_233] : memref<1x2048xf32, #tpu.memory_space<vmem>>, vector<1x512xf32>
    %add3A_235 = vector.broadcast %get3A_234 : vector<1x512xf32> to vector<1024x512xf32>
    %add3A_236 = arith.addf %dot_general3A_231, %add3A_235 : vector<1024x512xf32>
    %max3A_237 = arith.constant 0.000000e+00 : f32
    %max3A_238 = vector.broadcast %max3A_237 : f32 to vector<1024x512xf32>
    %max3A_239 = arith.maximumf %add3A_236, %max3A_238 : vector<1024x512xf32>
    %get3A_240 = arith.constant 512 : index
    %get3A_241 = arith.constant 0 : index
    %get3A_242 = vector.load %arg16[%get3A_240, %get3A_241] : memref<2048x128xf32, #tpu.memory_space<vmem>>, vector<512x128xf32>
    %dot_general3A_243 = arith.constant dense<0.000000e+00> : vector<1024x128xf32>
    %dot_general3A_244 = tpu.matmul %max3A_239, %get3A_242, %dot_general3A_243 {dimension_numbers = #tpu.dot_dimension_numbers<[1], [0], [0], [1], [0, 0, 1, 1], [], []>, transpose_lhs_hint = false} : vector<1024x512xf32>, vector<512x128xf32>, vector<1024x128xf32> -> vector<1024x128xf32>
    %add3A_245 = arith.addf %add3A_226, %dot_general3A_244 : vector<1024x128xf32>
    %get3A_246 = arith.constant 0 : index
    %get3A_247 = arith.constant 1024 : index
    %get3A_248 = vector.load %arg14[%get3A_246, %get3A_247] : memref<128x2048xf32, #tpu.memory_space<vmem>>, vector<128x512xf32>
    %dot_general3A_249 = arith.constant dense<0.000000e+00> : vector<1024x512xf32>
    %dot_general3A_250 = tpu.matmul %add3A_204, %get3A_248, %dot_general3A_249 {dimension_numbers = #tpu.dot_dimension_numbers<[1], [0], [0], [1], [0, 0, 1, 1], [], []>, transpose_lhs_hint = false} : vector<1024x128xf32>, vector<128x512xf32>, vector<1024x512xf32> -> vector<1024x512xf32>
    %get3A_251 = arith.constant 0 : index
    %get3A_252 = arith.constant 1024 : index
    %get3A_253 = vector.load %arg15[%get3A_251, %get3A_252] : memref<1x2048xf32, #tpu.memory_space<vmem>>, vector<1x512xf32>
    %add3A_254 = vector.broadcast %get3A_253 : vector<1x512xf32> to vector<1024x512xf32>
    %add3A_255 = arith.addf %dot_general3A_250, %add3A_254 : vector<1024x512xf32>
    %max3A_256 = arith.constant 0.000000e+00 : f32
    %max3A_257 = vector.broadcast %max3A_256 : f32 to vector<1024x512xf32>
    %max3A_258 = arith.maximumf %add3A_255, %max3A_257 : vector<1024x512xf32>
    %get3A_259 = arith.constant 1024 : index
    %get3A_260 = arith.constant 0 : index
    %get3A_261 = vector.load %arg16[%get3A_259, %get3A_260] : memref<2048x128xf32, #tpu.memory_space<vmem>>, vector<512x128xf32>
    %dot_general3A_262 = arith.constant dense<0.000000e+00> : vector<1024x128xf32>
    %dot_general3A_263 = tpu.matmul %max3A_258, %get3A_261, %dot_general3A_262 {dimension_numbers = #tpu.dot_dimension_numbers<[1], [0], [0], [1], [0, 0, 1, 1], [], []>, transpose_lhs_hint = false} : vector<1024x512xf32>, vector<512x128xf32>, vector<1024x128xf32> -> vector<1024x128xf32>
    %add3A_264 = arith.addf %add3A_245, %dot_general3A_263 : vector<1024x128xf32>
    %get3A_265 = arith.constant 0 : index
    %get3A_266 = arith.constant 1536 : index
    %get3A_267 = vector.load %arg14[%get3A_265, %get3A_266] : memref<128x2048xf32, #tpu.memory_space<vmem>>, vector<128x512xf32>
    %dot_general3A_268 = arith.constant dense<0.000000e+00> : vector<1024x512xf32>
    %dot_general3A_269 = tpu.matmul %add3A_204, %get3A_267, %dot_general3A_268 {dimension_numbers = #tpu.dot_dimension_numbers<[1], [0], [0], [1], [0, 0, 1, 1], [], []>, transpose_lhs_hint = false} : vector<1024x128xf32>, vector<128x512xf32>, vector<1024x512xf32> -> vector<1024x512xf32>
    %get3A_270 = arith.constant 0 : index
    %get3A_271 = arith.constant 1536 : index
    %get3A_272 = vector.load %arg15[%get3A_270, %get3A_271] : memref<1x2048xf32, #tpu.memory_space<vmem>>, vector<1x512xf32>
    %add3A_273 = vector.broadcast %get3A_272 : vector<1x512xf32> to vector<1024x512xf32>
    %add3A_274 = arith.addf %dot_general3A_269, %add3A_273 : vector<1024x512xf32>
    %max3A_275 = arith.constant 0.000000e+00 : f32
    %max3A_276 = vector.broadcast %max3A_275 : f32 to vector<1024x512xf32>
    %max3A_277 = arith.maximumf %add3A_274, %max3A_276 : vector<1024x512xf32>
    %get3A_278 = arith.constant 1536 : index
    %get3A_279 = arith.constant 0 : index
    %get3A_280 = vector.load %arg16[%get3A_278, %get3A_279] : memref<2048x128xf32, #tpu.memory_space<vmem>>, vector<512x128xf32>
    %dot_general3A_281 = arith.constant dense<0.000000e+00> : vector<1024x128xf32>
    %dot_general3A_282 = tpu.matmul %max3A_277, %get3A_280, %dot_general3A_281 {dimension_numbers = #tpu.dot_dimension_numbers<[1], [0], [0], [1], [0, 0, 1, 1], [], []>, transpose_lhs_hint = false} : vector<1024x512xf32>, vector<512x128xf32>, vector<1024x128xf32> -> vector<1024x128xf32>
    %add3A_283 = arith.addf %add3A_264, %dot_general3A_282 : vector<1024x128xf32>
    %add3A_284 = arith.addf %add3A_204, %add3A_283 : vector<1024x128xf32>
    %get3A_285 = arith.constant 0 : index
    %get3A_286 = arith.constant 0 : index
    %get3A_287 = vector.load %arg18[%get3A_285, %get3A_286] : memref<1x128xf32, #tpu.memory_space<vmem>>, vector<1x128xf32>
    %get3A_288 = arith.constant 0 : index
    %get3A_289 = arith.constant 0 : index
    %get3A_290 = vector.load %arg19[%get3A_288, %get3A_289] : memref<1x128xf32, #tpu.memory_space<vmem>>, vector<1x128xf32>
    %reduce_sum3A_291 = arith.constant dense<0.000000e+00> : vector<1024xf32>
    %reduce_sum3A_292 = vector.multi_reduction <add>, %add3A_284, %reduce_sum3A_291 [1] : vector<1024x128xf32> to vector<1024xf32>
    %broadcast_in_dim3A_293 = vector.shape_cast %reduce_sum3A_292 : vector<1024xf32> to vector<1024x1xf32>
    %div3A_294 = arith.constant 1.280000e+02 : f32
    %div3A_295 = vector.broadcast %div3A_294 : f32 to vector<1024x1xf32>
    %div3A_296 = arith.divf %broadcast_in_dim3A_293, %div3A_295 : vector<1024x1xf32>
    %sub3A_297 = vector.broadcast %div3A_296 : vector<1024x1xf32> to vector<1024x128xf32>
    %sub3A_298 = arith.subf %add3A_284, %sub3A_297 : vector<1024x128xf32>
    %mul3A_299 = arith.mulf %sub3A_298, %sub3A_298 : vector<1024x128xf32>
    %reduce_sum3A_300 = arith.constant dense<0.000000e+00> : vector<1024xf32>
    %reduce_sum3A_301 = vector.multi_reduction <add>, %mul3A_299, %reduce_sum3A_300 [1] : vector<1024x128xf32> to vector<1024xf32>
    %broadcast_in_dim3A_302 = vector.shape_cast %reduce_sum3A_301 : vector<1024xf32> to vector<1024x1xf32>
    %div3A_303 = arith.constant 1.280000e+02 : f32
    %div3A_304 = vector.broadcast %div3A_303 : f32 to vector<1024x1xf32>
    %div3A_305 = arith.divf %broadcast_in_dim3A_302, %div3A_304 : vector<1024x1xf32>
    %add3A_306 = arith.constant 9.99999974E-6 : f32
    %add3A_307 = vector.broadcast %add3A_306 : f32 to vector<1024x1xf32>
    %add3A_308 = arith.addf %div3A_305, %add3A_307 : vector<1024x1xf32>
    %rsqrt3A_309 = math.rsqrt %add3A_308 : vector<1024x1xf32>
    %mul3A_310 = vector.broadcast %rsqrt3A_309 : vector<1024x1xf32> to vector<1024x128xf32>
    %mul3A_311 = arith.mulf %sub3A_298, %mul3A_310 : vector<1024x128xf32>
    %mul3A_312 = vector.broadcast %get3A_287 : vector<1x128xf32> to vector<1024x128xf32>
    %mul3A_313 = arith.mulf %mul3A_311, %mul3A_312 : vector<1024x128xf32>
    %add3A_314 = vector.broadcast %get3A_290 : vector<1x128xf32> to vector<1024x128xf32>
    %add3A_315 = arith.addf %mul3A_313, %add3A_314 : vector<1024x128xf32>
    %swap3A = arith.constant 0 : index
    %swap3A_316 = arith.constant 0 : index
    %swap3A_317 = vector.load %arg31[%swap3A, %swap3A_316] : memref<1024x128xf32, #tpu.memory_space<vmem>>, vector<1024x128xf32>
    tpu.vector_store %arg31[%swap3A, %swap3A_316], %add3A_315 {strides = array<i32>} : memref<1024x128xf32, #tpu.memory_space<vmem>>, vector<1024x128xf32>,
    %eq3A = arith.constant 0 : i32
    %eq3A_318 = arith.cmpi eq, %arg0, %eq3A : i32
    %convert_element_type3A = arith.extui %eq3A_318 : i1 to i32
    %cond3A = arith.constant 0 : i32
    %cond3A_319 = arith.cmpi ne, %convert_element_type3A, %cond3A : i32
    scf.if %cond3A_319 {
      %broadcast_in_dim3A_350 = arith.constant 0.000000e+00 : f32
      %broadcast_in_dim3A_351 = vector.broadcast %broadcast_in_dim3A_350 : f32 to vector<1x64xf32>
      %swap3A_352 = arith.constant 0 : index
      %swap3A_353 = arith.constant 0 : index
      %swap3A_354 = vector.load %arg28[%swap3A_352, %swap3A_353] : memref<1x64xf32, #tpu.memory_space<vmem>>, vector<1x64xf32>
      tpu.vector_store %arg28[%swap3A_352, %swap3A_353], %broadcast_in_dim3A_351 {strides = array<i32>} : memref<1x64xf32, #tpu.memory_space<vmem>>, vector<1x64xf32>,
      %broadcast_in_dim3A_355 = arith.constant 0.000000e+00 : f32
      %broadcast_in_dim3A_356 = vector.broadcast %broadcast_in_dim3A_355 : f32 to vector<1x64xf32>
      %swap3A_357 = arith.constant 0 : index
      %swap3A_358 = arith.constant 0 : index
      %swap3A_359 = vector.load %arg29[%swap3A_357, %swap3A_358] : memref<1x64xf32, #tpu.memory_space<vmem>>, vector<1x64xf32>
      tpu.vector_store %arg29[%swap3A_357, %swap3A_358], %broadcast_in_dim3A_356 {strides = array<i32>} : memref<1x64xf32, #tpu.memory_space<vmem>>, vector<1x64xf32>,
    } else {
    }
    %iota3A = tpu.iota {dimensions = array<i32: 1>} : vector<512x64xi32>
    %iota3A_320 = tpu.iota {dimensions = array<i32: 0>} : vector<512x512xi32>
    %iota3A_321 = tpu.iota {dimensions = array<i32: 1>} : vector<512x512xi32>
    %gt3A = arith.cmpi sgt, %iota3A_320, %iota3A_321 : vector<512x512xi32>
    %convert_element_type3A_322 = arith.extui %gt3A : vector<512x512xi1> to vector<512x512xi32>
    %convert_element_type3A_323 = arith.sitofp %convert_element_type3A_322 : vector<512x512xi32> to vector<512x512xf32>
    %convert_element_type3A_324 = arith.sitofp %arg0 : i32 to f32
    %broadcast_in_dim3A_325 = vector.broadcast %convert_element_type3A_324 : f32 to vector<512x1xf32>
    %broadcast_in_dim3A_326 = arith.constant 0.000000e+00 : f32
    %broadcast_in_dim3A_327 = vector.broadcast %broadcast_in_dim3A_326 : f32 to vector<512x126xf32>
    %get3A_328 = arith.constant 0 : index
    %get3A_329 = arith.constant 0 : index
    %get3A_330 = vector.load %arg28[%get3A_328, %get3A_329] : memref<1x64xf32, #tpu.memory_space<vmem>>, vector<1x64xf32>
    %get3A_331 = arith.constant 0 : index
    %get3A_332 = arith.constant 0 : index
    %get3A_333 = vector.load %arg29[%get3A_331, %get3A_332] : memref<1x64xf32, #tpu.memory_space<vmem>>, vector<1x64xf32>
    %scan3A = arith.constant 0 : i32
    %scan3A_334 = arith.constant 2 : i32
    %scan3A_335 = arith.addi %scan3A, %scan3A_334 : i32
    %scan3A_336 = arith.constant 1 : i32
    %scan3A_337:2 = scf.for %scan3A_350 = %scan3A to %scan3A_335 step %scan3A_336 iter_args(%scan3A_351 = %get3A_330, %scan3A_352 = %get3A_333) -> (vector<1x64xf32>, vector<1x64xf32>)  : i32 {
      %mul3A_353 = arith.constant 512 : i32
      %mul3A_354 = arith.muli %scan3A_350, %mul3A_353 : i32
      %get3A_355 = arith.index_cast %mul3A_354 : i32 to index
      %get3A_356 = arith.constant 0 : index
      %get3A_357 = vector.load %arg31[%get3A_355, %get3A_356] : memref<1024x128xf32, #tpu.memory_space<vmem>>, vector<512x128xf32>
      %get3A_358 = arith.constant 0 : index
      %get3A_359 = arith.constant 0 : index
      %get3A_360 = vector.load %arg20[%get3A_358, %get3A_359] : memref<128x64xf32, #tpu.memory_space<vmem>>, vector<128x64xf32>
      %dot_general3A_361 = arith.constant dense<0.000000e+00> : vector<512x64xf32>
      %dot_general3A_362 = tpu.matmul %get3A_357, %get3A_360, %dot_general3A_361 {dimension_numbers = #tpu.dot_dimension_numbers<[1], [0], [0], [1], [0, 0, 1, 1], [], []>, transpose_lhs_hint = false} : vector<512x128xf32>, vector<128x64xf32>, vector<512x64xf32> -> vector<512x64xf32>
      %get3A_363 = arith.constant 0 : index
      %get3A_364 = arith.constant 0 : index
      %get3A_365 = vector.load %arg21[%get3A_363, %get3A_364] : memref<1x64xf32, #tpu.memory_space<vmem>>, vector<1x64xf32>
      %add3A_366 = vector.broadcast %get3A_365 : vector<1x64xf32> to vector<512x64xf32>
      %add3A_367 = arith.addf %dot_general3A_362, %add3A_366 : vector<512x64xf32>
      %reduce_max3A = arith.constant dense<0xFF800000> : vector<512xf32>
      %reduce_max3A_368 = vector.multi_reduction <maximumf>, %add3A_367, %reduce_max3A [1] : vector<512x64xf32> to vector<512xf32>
      %broadcast_in_dim3A_369 = vector.shape_cast %reduce_max3A_368 : vector<512xf32> to vector<512x1xf32>
      %sub3A_370 = vector.broadcast %broadcast_in_dim3A_369 : vector<512x1xf32> to vector<512x64xf32>
      %sub3A_371 = arith.subf %add3A_367, %sub3A_370 : vector<512x64xf32>
      %exp3A_372 = math.exp %sub3A_371 : vector<512x64xf32>
      %reduce_sum3A_373 = arith.constant dense<0.000000e+00> : vector<512xf32>
      %reduce_sum3A_374 = vector.multi_reduction <add>, %exp3A_372, %reduce_sum3A_373 [1] : vector<512x64xf32> to vector<512xf32>
      %broadcast_in_dim3A_375 = vector.shape_cast %reduce_sum3A_374 : vector<512xf32> to vector<512x1xf32>
      %div3A_376 = vector.broadcast %broadcast_in_dim3A_375 : vector<512x1xf32> to vector<512x64xf32>
      %div3A_377 = arith.divf %exp3A_372, %div3A_376 : vector<512x64xf32>
      %reduce_max3A_378 = arith.constant dense<0xFF800000> : vector<512xf32>
      %reduce_max3A_379 = vector.multi_reduction <maximumf>, %div3A_377, %reduce_max3A_378 [1] : vector<512x64xf32> to vector<512xf32>
      %broadcast_in_dim3A_380 = vector.shape_cast %reduce_max3A_379 : vector<512xf32> to vector<512x1xf32>
      %ge3A = vector.broadcast %broadcast_in_dim3A_380 : vector<512x1xf32> to vector<512x64xf32>
      %ge3A_381 = arith.cmpf oge, %div3A_377, %ge3A : vector<512x64xf32>
      %jit3A = arith.constant 64 : i32
      %broadcast_in_dim3A_382 = vector.broadcast %jit3A : i32 to vector<512x64xi32>
      %select_n3A = arith.select %ge3A_381, %iota3A, %broadcast_in_dim3A_382 : vector<512x64xi1>, vector<512x64xi32>
      %reduce_min3A = arith.constant dense<2147483647> : vector<512xi32>
      %reduce_min3A_383 = vector.multi_reduction <minsi>, %select_n3A, %reduce_min3A [1] : vector<512x64xi32> to vector<512xi32>
      %broadcast_in_dim3A_384 = vector.shape_cast %reduce_min3A_383 : vector<512xi32> to vector<512x1xi32>
      %eq3A_385 = vector.broadcast %broadcast_in_dim3A_384 : vector<512x1xi32> to vector<512x64xi32>
      %eq3A_386 = arith.cmpi eq, %iota3A, %eq3A_385 : vector<512x64xi32>
      %convert_element_type3A_387 = arith.extui %eq3A_386 : vector<512x64xi1> to vector<512x64xi32>
      %convert_element_type3A_388 = arith.sitofp %convert_element_type3A_387 : vector<512x64xi32> to vector<512x64xf32>
      %dot_general3A_389 = arith.constant dense<0.000000e+00> : vector<512x64xf32>
      %dot_general3A_390 = tpu.matmul %convert_element_type3A_323, %convert_element_type3A_388, %dot_general3A_389 {dimension_numbers = #tpu.dot_dimension_numbers<[1], [0], [0], [1], [0, 0, 1, 1], [], []>, transpose_lhs_hint = false} : vector<512x512xf32>, vector<512x64xf32>, vector<512x64xf32> -> vector<512x64xf32>
      %mul3A_391 = arith.mulf %dot_general3A_390, %convert_element_type3A_388 : vector<512x64xf32>
      %reduce_sum3A_392 = arith.constant dense<0.000000e+00> : vector<512xf32>
      %reduce_sum3A_393 = vector.multi_reduction <add>, %mul3A_391, %reduce_sum3A_392 [1] : vector<512x64xf32> to vector<512xf32>
      %broadcast_in_dim3A_394 = vector.shape_cast %reduce_sum3A_393 : vector<512xf32> to vector<512x1xf32>
      %mul3A_395 = vector.broadcast %scan3A_351 : vector<1x64xf32> to vector<512x64xf32>
      %mul3A_396 = arith.mulf %mul3A_395, %convert_element_type3A_388 : vector<512x64xf32>
      %reduce_sum3A_397 = arith.constant dense<0.000000e+00> : vector<512xf32>
      %reduce_sum3A_398 = vector.multi_reduction <add>, %mul3A_396, %reduce_sum3A_397 [1] : vector<512x64xf32> to vector<512xf32>
      %broadcast_in_dim3A_399 = vector.shape_cast %reduce_sum3A_398 : vector<512xf32> to vector<512x1xf32>
      %mul3A_400 = arith.constant 1024 : i32
      %mul3A_401 = arith.muli %arg0, %mul3A_400 : i32
      %mul3A_402 = arith.constant 512 : i32
      %mul3A_403 = arith.muli %scan3A_350, %mul3A_402 : i32
      %add3A_404 = arith.addi %mul3A_401, %mul3A_403 : i32
      %add3A_405 = arith.addf %broadcast_in_dim3A_394, %broadcast_in_dim3A_399 : vector<512x1xf32>
      %convert_element_type3A_406 = arith.fptosi %add3A_405 : vector<512x1xf32> to vector<512x1xi32>
      %swap3A_407 = arith.index_cast %add3A_404 : i32 to index
      %swap3A_408 = arith.constant 0 : index
      %swap3A_409 = vector.load %arg23[%swap3A_407, %swap3A_408] : memref<4096x1xi32, #tpu.memory_space<vmem>>, vector<512x1xi32>
      tpu.vector_store %arg23[%swap3A_407, %swap3A_408], %convert_element_type3A_406 {strides = array<i32>} : memref<4096x1xi32, #tpu.memory_space<vmem>>, vector<512x1xi32>,
      %swap3A_410 = arith.index_cast %add3A_404 : i32 to index
      %swap3A_411 = arith.constant 0 : index
      %swap3A_412 = vector.load %arg30[%swap3A_410, %swap3A_411] : memref<4096x1xi32, #tpu.memory_space<vmem>>, vector<512x1xi32>
      tpu.vector_store %arg30[%swap3A_410, %swap3A_411], %broadcast_in_dim3A_384 {strides = array<i32>} : memref<4096x1xi32, #tpu.memory_space<vmem>>, vector<512x1xi32>,
      %concatenate3A_413 = tpu.concatenate %get3A_357, %broadcast_in_dim3A_380, %broadcast_in_dim3A_325, %broadcast_in_dim3A_327 in 1 : vector<512x128xf32>, vector<512x1xf32>, vector<512x1xf32>, vector<512x126xf32> -> vector<512x256xf32>
      %mul3A_414 = arith.constant 512 : i32
      %mul3A_415 = arith.muli %scan3A_350, %mul3A_414 : i32
      %swap3A_416 = arith.index_cast %mul3A_415 : i32 to index
      %swap3A_417 = arith.constant 0 : index
      %swap3A_418 = vector.load %arg22[%swap3A_416, %swap3A_417] : memref<1024x256xf32, #tpu.memory_space<vmem>>, vector<512x256xf32>
      tpu.vector_store %arg22[%swap3A_416, %swap3A_417], %concatenate3A_413 {strides = array<i32>} : memref<1024x256xf32, #tpu.memory_space<vmem>>, vector<512x256xf32>,
      %reduce_sum3A_419 = arith.constant dense<0.000000e+00> : vector<64xf32>
      %reduce_sum3A_420 = vector.multi_reduction <add>, %convert_element_type3A_388, %reduce_sum3A_419 [0] : vector<512x64xf32> to vector<64xf32>
      %broadcast_in_dim3A_421 = vector.shape_cast %reduce_sum3A_420 : vector<64xf32> to vector<1x64xf32>
      %add3A_422 = arith.addf %scan3A_351, %broadcast_in_dim3A_421 : vector<1x64xf32>
      %reduce_sum3A_423 = arith.constant dense<0.000000e+00> : vector<64xf32>
      %reduce_sum3A_424 = vector.multi_reduction <add>, %div3A_377, %reduce_sum3A_423 [0] : vector<512x64xf32> to vector<64xf32>
      %broadcast_in_dim3A_425 = vector.shape_cast %reduce_sum3A_424 : vector<64xf32> to vector<1x64xf32>
      %add3A_426 = arith.addf %scan3A_352, %broadcast_in_dim3A_425 : vector<1x64xf32>
      scf.yield %add3A_422, %add3A_426 : vector<1x64xf32>, vector<1x64xf32>
    }
    %scan3A_338 = arith.constant 2 : i32
    %swap3A_339 = arith.constant 0 : index
    %swap3A_340 = arith.constant 0 : index
    %swap3A_341 = vector.load %arg28[%swap3A_339, %swap3A_340] : memref<1x64xf32, #tpu.memory_space<vmem>>, vector<1x64xf32>
    tpu.vector_store %arg28[%swap3A_339, %swap3A_340], %scan3A_337#0 {strides = array<i32>} : memref<1x64xf32, #tpu.memory_space<vmem>>, vector<1x64xf32>,
    %swap3A_342 = arith.constant 0 : index
    %swap3A_343 = arith.constant 0 : index
    %swap3A_344 = vector.load %arg29[%swap3A_342, %swap3A_343] : memref<1x64xf32, #tpu.memory_space<vmem>>, vector<1x64xf32>
    tpu.vector_store %arg29[%swap3A_342, %swap3A_343], %scan3A_337#1 {strides = array<i32>} : memref<1x64xf32, #tpu.memory_space<vmem>>, vector<1x64xf32>,
    %eq3A_345 = arith.constant 3 : i32
    %eq3A_346 = arith.cmpi eq, %arg0, %eq3A_345 : i32
    %convert_element_type3A_347 = arith.extui %eq3A_346 : i1 to i32
    %cond3A_348 = arith.constant 0 : i32
    %cond3A_349 = arith.cmpi ne, %convert_element_type3A_347, %cond3A_348 : i32
    scf.if %cond3A_349 {
      %mul3A_350 = arith.mulf %scan3A_337#0, %scan3A_337#1 : vector<1x64xf32>
      %reduce_sum3A_351 = arith.constant dense<0.000000e+00> : vector<1xf32>
      %reduce_sum3A_352 = vector.multi_reduction <add>, %mul3A_350, %reduce_sum3A_351 [1] : vector<1x64xf32> to vector<1xf32>
      %broadcast_in_dim3A_353 = vector.shape_cast %reduce_sum3A_352 : vector<1xf32> to vector<1x1xf32>
      %mul3A_354 = arith.constant 3.81469727E-6 : f32
      %mul3A_355 = vector.broadcast %mul3A_354 : f32 to vector<1x1xf32>
      %mul3A_356 = arith.mulf %broadcast_in_dim3A_353, %mul3A_355 : vector<1x1xf32>
      %swap3A_357 = arith.constant 0 : index
      %swap3A_358 = arith.constant 0 : index
      %swap3A_359 = vector.load %arg27[%swap3A_357, %swap3A_358] : memref<1x1xf32, #tpu.memory_space<vmem>>, vector<1x1xf32>
      tpu.vector_store %arg27[%swap3A_357, %swap3A_358], %mul3A_356 {strides = array<i32>} : memref<1x1xf32, #tpu.memory_space<vmem>>, vector<1x1xf32>,
      %iota3A_360 = tpu.iota {dimensions = array<i32: 0>} : vector<64x64xi32>
      %iota3A_361 = tpu.iota {dimensions = array<i32: 1>} : vector<64x64xi32>
      %lt3A = arith.cmpi slt, %iota3A_360, %iota3A_361 : vector<64x64xi32>
      %convert_element_type3A_362 = arith.extui %lt3A : vector<64x64xi1> to vector<64x64xi32>
      %convert_element_type3A_363 = arith.sitofp %convert_element_type3A_362 : vector<64x64xi32> to vector<64x64xf32>
      %dot_general3A_364 = arith.constant dense<0.000000e+00> : vector<1x64xf32>
      %dot_general3A_365 = tpu.matmul %scan3A_337#0, %convert_element_type3A_363, %dot_general3A_364 {dimension_numbers = #tpu.dot_dimension_numbers<[1], [0], [0], [1], [0, 0, 1, 1], [], []>, precision = #tpu.contract_precision<fp32>, transpose_lhs_hint = false} : vector<1x64xf32>, vector<64x64xf32>, vector<1x64xf32> -> vector<1x64xf32>
      %add3A_366 = arith.addf %dot_general3A_365, %scan3A_337#0 : vector<1x64xf32>
      %convert_element_type3A_367 = arith.fptosi %add3A_366 : vector<1x64xf32> to vector<1x64xi32>
      %swap3A_368 = arith.constant 0 : index
      %swap3A_369 = arith.constant 0 : index
      %swap3A_370 = vector.load %arg24[%swap3A_368, %swap3A_369] : memref<1x64xi32, #tpu.memory_space<vmem>>, vector<1x64xi32>
      tpu.vector_store %arg24[%swap3A_368, %swap3A_369], %convert_element_type3A_367 {strides = array<i32>} : memref<1x64xi32, #tpu.memory_space<vmem>>, vector<1x64xi32>,
      %iota3A_371 = tpu.iota {dimensions = array<i32: 0>} : vector<64x64xi32>
      %iota3A_372 = tpu.iota {dimensions = array<i32: 1>} : vector<64x64xi32>
      %eq3A_373 = arith.cmpi eq, %iota3A_371, %iota3A_372 : vector<64x64xi32>
      %convert_element_type3A_374 = arith.extui %eq3A_373 : vector<64x64xi1> to vector<64x64xi32>
      %convert_element_type3A_375 = arith.sitofp %convert_element_type3A_374 : vector<64x64xi32> to vector<64x64xf32>
      %dot_general3A_376 = arith.constant dense<0.000000e+00> : vector<64x1xf32>
      %dot_general3A_377 = tpu.matmul %convert_element_type3A_375, %add3A_366, %dot_general3A_376 {dimension_numbers = #tpu.dot_dimension_numbers<[1], [1], [0], [0], [0, 0, 1, 0], [], []>, precision = #tpu.contract_precision<fp32>, transpose_lhs_hint = false} : vector<64x64xf32>, vector<1x64xf32>, vector<64x1xf32> -> vector<64x1xf32>
      %iota3A_378 = tpu.iota {dimensions = array<i32: 1>} : vector<1x8xi32>
      %mul3A_379 = arith.constant 512 : i32
      %mul3A_380 = vector.broadcast %mul3A_379 : i32 to vector<1x8xi32>
      %mul3A_381 = arith.muli %iota3A_378, %mul3A_380 : vector<1x8xi32>
      %convert_element_type3A_382 = arith.sitofp %mul3A_381 : vector<1x8xi32> to vector<1x8xf32>
      %le3A = vector.broadcast %dot_general3A_377 : vector<64x1xf32> to vector<64x8xf32>
      %le3A_383 = vector.broadcast %convert_element_type3A_382 : vector<1x8xf32> to vector<64x8xf32>
      %le3A_384 = arith.cmpf ole, %le3A, %le3A_383 : vector<64x8xf32>
      %convert_element_type3A_385 = arith.extui %le3A_384 : vector<64x8xi1> to vector<64x8xi32>
      %convert_element_type3A_386 = arith.sitofp %convert_element_type3A_385 : vector<64x8xi32> to vector<64x8xf32>
      %reduce_sum3A_387 = arith.constant dense<0.000000e+00> : vector<8xf32>
      %reduce_sum3A_388 = vector.multi_reduction <add>, %convert_element_type3A_386, %reduce_sum3A_387 [0] : vector<64x8xf32> to vector<8xf32>
      %broadcast_in_dim3A_389 = vector.shape_cast %reduce_sum3A_388 : vector<8xf32> to vector<1x8xf32>
      %add3A_390 = arith.constant 5.110000e+02 : f32
      %add3A_391 = vector.broadcast %add3A_390 : f32 to vector<1x8xf32>
      %add3A_392 = arith.addf %convert_element_type3A_382, %add3A_391 : vector<1x8xf32>
      %le3A_393 = vector.broadcast %dot_general3A_377 : vector<64x1xf32> to vector<64x8xf32>
      %le3A_394 = vector.broadcast %add3A_392 : vector<1x8xf32> to vector<64x8xf32>
      %le3A_395 = arith.cmpf ole, %le3A_393, %le3A_394 : vector<64x8xf32>
      %convert_element_type3A_396 = arith.extui %le3A_395 : vector<64x8xi1> to vector<64x8xi32>
      %convert_element_type3A_397 = arith.sitofp %convert_element_type3A_396 : vector<64x8xi32> to vector<64x8xf32>
      %reduce_sum3A_398 = arith.constant dense<0.000000e+00> : vector<8xf32>
      %reduce_sum3A_399 = vector.multi_reduction <add>, %convert_element_type3A_397, %reduce_sum3A_398 [0] : vector<64x8xf32> to vector<8xf32>
      %broadcast_in_dim3A_400 = vector.shape_cast %reduce_sum3A_399 : vector<8xf32> to vector<1x8xf32>
      %convert_element_type3A_401 = arith.fptosi %broadcast_in_dim3A_389 : vector<1x8xf32> to vector<1x8xi32>
      %swap3A_402 = arith.constant 0 : index
      %swap3A_403 = arith.constant 0 : index
      %swap3A_404 = vector.load %arg25[%swap3A_402, %swap3A_403] : memref<1x8xi32, #tpu.memory_space<vmem>>, vector<1x8xi32>
      tpu.vector_store %arg25[%swap3A_402, %swap3A_403], %convert_element_type3A_401 {strides = array<i32>} : memref<1x8xi32, #tpu.memory_space<vmem>>, vector<1x8xi32>,
      %sub3A_405 = arith.subf %broadcast_in_dim3A_400, %broadcast_in_dim3A_389 : vector<1x8xf32>
      %add3A_406 = arith.constant 1.000000e+00 : f32
      %add3A_407 = vector.broadcast %add3A_406 : f32 to vector<1x8xf32>
      %add3A_408 = arith.addf %sub3A_405, %add3A_407 : vector<1x8xf32>
      %convert_element_type3A_409 = arith.fptosi %add3A_408 : vector<1x8xf32> to vector<1x8xi32>
      %swap3A_410 = arith.constant 0 : index
      %swap3A_411 = arith.constant 0 : index
      %swap3A_412 = vector.load %arg26[%swap3A_410, %swap3A_411] : memref<1x8xi32, #tpu.memory_space<vmem>>, vector<1x8xi32>
      tpu.vector_store %arg26[%swap3A_410, %swap3A_411], %convert_element_type3A_409 {strides = array<i32>} : memref<1x8xi32, #tpu.memory_space<vmem>>, vector<1x8xi32>,
      %scan3A_413 = arith.constant 0 : i32
      %scan3A_414 = arith.constant 8 : i32
      %scan3A_415 = arith.addi %scan3A_413, %scan3A_414 : i32
      %scan3A_416 = arith.constant 1 : i32
      scf.for %scan3A_418 = %scan3A_413 to %scan3A_415 step %scan3A_416  : i32 {
        %mul3A_419 = arith.constant 512 : i32
        %mul3A_420 = arith.muli %scan3A_418, %mul3A_419 : i32
        %get3A_421 = arith.index_cast %mul3A_420 : i32 to index
        %get3A_422 = arith.constant 0 : index
        %get3A_423 = vector.load %arg23[%get3A_421, %get3A_422] : memref<4096x1xi32, #tpu.memory_space<vmem>>, vector<512x1xi32>
        %mul3A_424 = arith.constant 512 : i32
        %mul3A_425 = arith.muli %scan3A_418, %mul3A_424 : i32
        %get3A_426 = arith.index_cast %mul3A_425 : i32 to index
        %get3A_427 = arith.constant 0 : index
        %get3A_428 = vector.load %arg30[%get3A_426, %get3A_427] : memref<4096x1xi32, #tpu.memory_space<vmem>>, vector<512x1xi32>
        %eq3A_429 = vector.broadcast %get3A_428 : vector<512x1xi32> to vector<512x64xi32>
        %eq3A_430 = arith.cmpi eq, %iota3A, %eq3A_429 : vector<512x64xi32>
        %convert_element_type3A_431 = arith.extui %eq3A_430 : vector<512x64xi1> to vector<512x64xi32>
        %convert_element_type3A_432 = arith.sitofp %convert_element_type3A_431 : vector<512x64xi32> to vector<512x64xf32>
        %mul3A_433 = vector.broadcast %dot_general3A_365 : vector<1x64xf32> to vector<512x64xf32>
        %mul3A_434 = arith.mulf %mul3A_433, %convert_element_type3A_432 : vector<512x64xf32>
        %reduce_sum3A_435 = arith.constant dense<0.000000e+00> : vector<512xf32>
        %reduce_sum3A_436 = vector.multi_reduction <add>, %mul3A_434, %reduce_sum3A_435 [1] : vector<512x64xf32> to vector<512xf32>
        %broadcast_in_dim3A_437 = vector.shape_cast %reduce_sum3A_436 : vector<512xf32> to vector<512x1xf32>
        %convert_element_type3A_438 = arith.fptosi %broadcast_in_dim3A_437 : vector<512x1xf32> to vector<512x1xi32>
        %add3A_439 = arith.addi %get3A_423, %convert_element_type3A_438 : vector<512x1xi32>
        %mul3A_440 = arith.constant 512 : i32
        %mul3A_441 = arith.muli %scan3A_418, %mul3A_440 : i32
        %swap3A_442 = arith.index_cast %mul3A_441 : i32 to index
        %swap3A_443 = arith.constant 0 : index
        %swap3A_444 = vector.load %arg23[%swap3A_442, %swap3A_443] : memref<4096x1xi32, #tpu.memory_space<vmem>>, vector<512x1xi32>
        tpu.vector_store %arg23[%swap3A_442, %swap3A_443], %add3A_439 {strides = array<i32>} : memref<4096x1xi32, #tpu.memory_space<vmem>>, vector<512x1xi32>,
      }
      %scan3A_417 = arith.constant 8 : i32
    } else {
    }
    return
  }
  func.func @transform_0(%arg0: i32) -> (i32, i32) {
    %c0_i32 = arith.constant 0 : i32
    %c0_i32_0 = arith.constant 0 : i32
    return %arg0, %c0_i32 : i32, i32
  }
  func.func @transform_1(%arg0: i32) -> (i32, i32) {
    %c0_i32 = arith.constant 0 : i32
    %c0_i32_0 = arith.constant 0 : i32
    %c0_i32_1 = arith.constant 0 : i32
    return %c0_i32, %c0_i32_0 : i32, i32
  }
  func.func @transform_2(%arg0: i32) -> (i32, i32) {
    %c0_i32 = arith.constant 0 : i32
    %c0_i32_0 = arith.constant 0 : i32
    %c0_i32_1 = arith.constant 0 : i32
    return %c0_i32, %c0_i32_0 : i32, i32
  }
  func.func @transform_3(%arg0: i32) -> (i32, i32) {
    %c0_i32 = arith.constant 0 : i32
    %c0_i32_0 = arith.constant 0 : i32
    %c0_i32_1 = arith.constant 0 : i32
    return %c0_i32, %c0_i32_0 : i32, i32
  }
  func.func @transform_4(%arg0: i32) -> (i32, i32) {
    %c0_i32 = arith.constant 0 : i32
    %c0_i32_0 = arith.constant 0 : i32
    %c0_i32_1 = arith.constant 0 : i32
    return %c0_i32, %c0_i32_0 : i32, i32
  }
  func.func @transform_5(%arg0: i32) -> (i32, i32) {
    %c0_i32 = arith.constant 0 : i32
    %c0_i32_0 = arith.constant 0 : i32
    %c0_i32_1 = arith.constant 0 : i32
    return %c0_i32, %c0_i32_0 : i32, i32
  }
  func.func @transform_6(%arg0: i32) -> (i32, i32) {
    %c0_i32 = arith.constant 0 : i32
    %c0_i32_0 = arith.constant 0 : i32
    %c0_i32_1 = arith.constant 0 : i32
    return %c0_i32, %c0_i32_0 : i32, i32
  }
  func.func @transform_7(%arg0: i32) -> (i32, i32) {
    %c0_i32 = arith.constant 0 : i32
    %c0_i32_0 = arith.constant 0 : i32
    %c0_i32_1 = arith.constant 0 : i32
    return %c0_i32, %c0_i32_0 : i32, i32
  }
  func.func @transform_8(%arg0: i32) -> (i32, i32) {
    %c0_i32 = arith.constant 0 : i32
    %c0_i32_0 = arith.constant 0 : i32
    %c0_i32_1 = arith.constant 0 : i32
    return %c0_i32, %c0_i32_0 : i32, i32
  }
  func.func @transform_9(%arg0: i32) -> (i32, i32) {
    %c0_i32 = arith.constant 0 : i32
    %c0_i32_0 = arith.constant 0 : i32
    %c0_i32_1 = arith.constant 0 : i32
    return %c0_i32, %c0_i32_0 : i32, i32
  }
  func.func @transform_10(%arg0: i32) -> (i32, i32) {
    %c0_i32 = arith.constant 0 : i32
    %c0_i32_0 = arith.constant 0 : i32
    %c0_i32_1 = arith.constant 0 : i32
    return %c0_i32, %c0_i32_0 : i32, i32
  }
  func.func @transform_11(%arg0: i32) -> (i32, i32) {
    %c0_i32 = arith.constant 0 : i32
    %c0_i32_0 = arith.constant 0 : i32
    %c0_i32_1 = arith.constant 0 : i32
    return %c0_i32, %c0_i32_0 : i32, i32
  }
  func.func @transform_12(%arg0: i32) -> (i32, i32) {
    %c0_i32 = arith.constant 0 : i32
    %c0_i32_0 = arith.constant 0 : i32
    %c0_i32_1 = arith.constant 0 : i32
    return %c0_i32, %c0_i32_0 : i32, i32
  }
  func.func @transform_13(%arg0: i32) -> (i32, i32) {
    %c0_i32 = arith.constant 0 : i32
    %c0_i32_0 = arith.constant 0 : i32
    %c0_i32_1 = arith.constant 0 : i32
    return %c0_i32, %c0_i32_0 : i32, i32
  }
  func.func @transform_14(%arg0: i32) -> (i32, i32) {
    %c0_i32 = arith.constant 0 : i32
    %c0_i32_0 = arith.constant 0 : i32
    %c0_i32_1 = arith.constant 0 : i32
    return %c0_i32, %c0_i32_0 : i32, i32
  }
  func.func @transform_15(%arg0: i32) -> (i32, i32) {
    %c0_i32 = arith.constant 0 : i32
    %c0_i32_0 = arith.constant 0 : i32
    %c0_i32_1 = arith.constant 0 : i32
    return %c0_i32, %c0_i32_0 : i32, i32
  }
  func.func @transform_16(%arg0: i32) -> (i32, i32) {
    %c0_i32 = arith.constant 0 : i32
    %c0_i32_0 = arith.constant 0 : i32
    %c0_i32_1 = arith.constant 0 : i32
    return %c0_i32, %c0_i32_0 : i32, i32
  }
  func.func @transform_17(%arg0: i32) -> (i32, i32) {
    %c0_i32 = arith.constant 0 : i32
    %c0_i32_0 = arith.constant 0 : i32
    %c0_i32_1 = arith.constant 0 : i32
    return %c0_i32, %c0_i32_0 : i32, i32
  }
  func.func @transform_18(%arg0: i32) -> (i32, i32) {
    %c0_i32 = arith.constant 0 : i32
    %c0_i32_0 = arith.constant 0 : i32
    %c0_i32_1 = arith.constant 0 : i32
    return %c0_i32, %c0_i32_0 : i32, i32
  }
  func.func @transform_19(%arg0: i32) -> (i32, i32) {
    %c0_i32 = arith.constant 0 : i32
    %c0_i32_0 = arith.constant 0 : i32
    %c0_i32_1 = arith.constant 0 : i32
    return %c0_i32, %c0_i32_0 : i32, i32
  }
  func.func @transform_20(%arg0: i32) -> (i32, i32) {
    %c0_i32 = arith.constant 0 : i32
    %c0_i32_0 = arith.constant 0 : i32
    %c0_i32_1 = arith.constant 0 : i32
    return %c0_i32, %c0_i32_0 : i32, i32
  }
  func.func @transform_21(%arg0: i32) -> (i32, i32) {
    %c0_i32 = arith.constant 0 : i32
    %c0_i32_0 = arith.constant 0 : i32
    return %arg0, %c0_i32 : i32, i32
  }
  func.func @transform_22(%arg0: i32) -> (i32, i32) {
    %c0_i32 = arith.constant 0 : i32
    %c0_i32_0 = arith.constant 0 : i32
    %c0_i32_1 = arith.constant 0 : i32
    return %c0_i32, %c0_i32_0 : i32, i32
  }
  func.func @transform_23(%arg0: i32) -> (i32, i32) {
    %c0_i32 = arith.constant 0 : i32
    %c0_i32_0 = arith.constant 0 : i32
    %c0_i32_1 = arith.constant 0 : i32
    return %c0_i32, %c0_i32_0 : i32, i32
  }
  func.func @transform_24(%arg0: i32) -> (i32, i32) {
    %c0_i32 = arith.constant 0 : i32
    %c0_i32_0 = arith.constant 0 : i32
    %c0_i32_1 = arith.constant 0 : i32
    return %c0_i32, %c0_i32_0 : i32, i32
  }
  func.func @transform_25(%arg0: i32) -> (i32, i32) {
    %c0_i32 = arith.constant 0 : i32
    %c0_i32_0 = arith.constant 0 : i32
    %c0_i32_1 = arith.constant 0 : i32
    return %c0_i32, %c0_i32_0 : i32, i32
  }
  func.func @transform_26(%arg0: i32) -> (i32, i32) {
    %c0_i32 = arith.constant 0 : i32
    %c0_i32_0 = arith.constant 0 : i32
    %c0_i32_1 = arith.constant 0 : i32
    return %c0_i32, %c0_i32_0 : i32, i32
  }
}

module attributes {stable_mosaic.version = 14 : i64} {
  func.func @_expert_body(%arg0: i32, %arg1: memref<1x8xi32, #tpu.memory_space<smem>>, %arg2: memref<1x8xi32, #tpu.memory_space<smem>>, %arg3: memref<512x256xf32, #tpu.memory_space<vmem>>, %arg4: memref<64x128x256xf32, #tpu.memory_space<vmem>>, %arg5: memref<64x1x256xf32, #tpu.memory_space<vmem>>, %arg6: memref<1x64xi32, #tpu.memory_space<vmem>>, %arg7: memref<256x1000xf32, #tpu.memory_space<vmem>>, %arg8: memref<1x1000xf32, #tpu.memory_space<vmem>>, %arg9: memref<4x1000xf32, #tpu.memory_space<vmem>>, %arg10: memref<4x256xf32, #tpu.memory_space<vmem>>) attributes {dimension_semantics = [#tpu.dimension_semantics<arbitrary>], iteration_bounds = array<i64: 8>, scalar_prefetch = 0 : i64, scratch_operands = 1 : i64, tpu.core_type = #tpu.core_type<tc>, window_params = [{transform_indices = @transform_0, window_bounds = array<i64: 1, 8>}, {transform_indices = @transform_1, window_bounds = array<i64: 1, 8>}, {transform_indices = @transform_2, window_bounds = array<i64: 512, 256>}, {pipeline_mode = #tpu.pipeline_mode<synchronous>, transform_indices = @transform_3, window_bounds = array<i64: 64, 128, 256>}, {pipeline_mode = #tpu.pipeline_mode<synchronous>, transform_indices = @transform_4, window_bounds = array<i64: 64, 1, 256>}, {pipeline_mode = #tpu.pipeline_mode<synchronous>, transform_indices = @transform_5, window_bounds = array<i64: 1, 64>}, {pipeline_mode = #tpu.pipeline_mode<synchronous>, transform_indices = @transform_6, window_bounds = array<i64: 256, 1000>}, {pipeline_mode = #tpu.pipeline_mode<synchronous>, transform_indices = @transform_7, window_bounds = array<i64: 1, 1000>}, {pipeline_mode = #tpu.pipeline_mode<synchronous>, transform_indices = @transform_8, window_bounds = array<i64: 4, 1000>}]} {
    %eq3A = arith.constant 0 : i32
    %eq3A_0 = arith.cmpi eq, %arg0, %eq3A : i32
    %convert_element_type3A = arith.extui %eq3A_0 : i1 to i32
    %cond3A = arith.constant 0 : i32
    %cond3A_1 = arith.cmpi ne, %convert_element_type3A, %cond3A : i32
    scf.if %cond3A_1 {
      %broadcast_in_dim3A_80 = arith.constant 0.000000e+00 : f32
      %broadcast_in_dim3A_81 = vector.broadcast %broadcast_in_dim3A_80 : f32 to vector<4x256xf32>
      %swap3A_82 = arith.constant 0 : index
      %swap3A_83 = arith.constant 0 : index
      %swap3A_84 = vector.load %arg10[%swap3A_82, %swap3A_83] : memref<4x256xf32, #tpu.memory_space<vmem>>, vector<4x256xf32>
      tpu.vector_store %arg10[%swap3A_82, %swap3A_83], %broadcast_in_dim3A_81 {strides = array<i32>} : memref<4x256xf32, #tpu.memory_space<vmem>>, vector<4x256xf32>,
    } else {
    }
    %get3A = arith.constant 0 : index
    %get3A_2 = arith.constant 0 : index
    %get3A_3 = vector.load %arg3[%get3A, %get3A_2] : memref<512x256xf32, #tpu.memory_space<vmem>>, vector<512x128xf32>
    %iota3A = tpu.iota {dimensions = array<i32: 0>} : vector<512x1xi32>
    %mul3A = arith.constant 512 : i32
    %mul3A_4 = arith.muli %arg0, %mul3A : i32
    %add3A = vector.broadcast %mul3A_4 : i32 to vector<512x1xi32>
    %add3A_5 = arith.addi %iota3A, %add3A : vector<512x1xi32>
    %get3A_6 = arith.constant 0 : index
    %get3A_7 = arith.constant 0 : index
    %get3A_8 = vector.load %arg6[%get3A_6, %get3A_7] : memref<1x64xi32, #tpu.memory_space<vmem>>, vector<1x64xi32>
    %le3A = vector.broadcast %get3A_8 : vector<1x64xi32> to vector<512x64xi32>
    %le3A_9 = vector.broadcast %add3A_5 : vector<512x1xi32> to vector<512x64xi32>
    %le3A_10 = arith.cmpi sle, %le3A, %le3A_9 : vector<512x64xi32>
    %convert_element_type3A_11 = arith.extui %le3A_10 : vector<512x64xi1> to vector<512x64xi32>
    %reduce_sum3A = arith.constant dense<0> : vector<512xi32>
    %reduce_sum3A_12 = vector.multi_reduction <add>, %convert_element_type3A_11, %reduce_sum3A [1] : vector<512x64xi32> to vector<512xi32>
    %broadcast_in_dim3A = vector.shape_cast %reduce_sum3A_12 : vector<512xi32> to vector<512x1xi32>
    %get3A_13 = arith.constant 0 : index
    %get3A_14 = arith.index_cast %arg0 : i32 to index
    %get3A_15 = memref.load %arg1[%get3A_13, %get3A_14] : memref<1x8xi32, #tpu.memory_space<smem>>
    %get3A_16 = arith.constant 0 : index
    %get3A_17 = arith.index_cast %arg0 : i32 to index
    %get3A_18 = memref.load %arg2[%get3A_16, %get3A_17] : memref<1x8xi32, #tpu.memory_space<smem>>
    %add3A_19 = arith.constant 1 : i32
    %add3A_20 = arith.addi %get3A_18, %add3A_19 : i32
    %jit3A = arith.constant 2 : i32
    %div3A = arith.divsi %add3A_20, %jit3A : i32
    %sign3A = arith.constant 0 : i32
    %sign3A_21 = arith.cmpi sgt, %add3A_20, %sign3A : i32
    %sign3A_22 = arith.extui %sign3A_21 : i1 to i32
    %sign3A_23 = arith.constant 0 : i32
    %sign3A_24 = arith.cmpi slt, %add3A_20, %sign3A_23 : i32
    %sign3A_25 = arith.extui %sign3A_24 : i1 to i32
    %sign3A_26 = arith.subi %sign3A_22, %sign3A_25 : i32
    %sign3A_27 = arith.constant 0 : i32
    %sign3A_28 = arith.cmpi sgt, %jit3A, %sign3A_27 : i32
    %sign3A_29 = arith.extui %sign3A_28 : i1 to i32
    %sign3A_30 = arith.constant 0 : i32
    %sign3A_31 = arith.cmpi slt, %jit3A, %sign3A_30 : i32
    %sign3A_32 = arith.extui %sign3A_31 : i1 to i32
    %sign3A_33 = arith.subi %sign3A_29, %sign3A_32 : i32
    %ne3A = arith.cmpi ne, %sign3A_26, %sign3A_33 : i32
    %rem3A = arith.remsi %add3A_20, %jit3A : i32
    %ne3A_34 = arith.constant 0 : i32
    %ne3A_35 = arith.cmpi ne, %rem3A, %ne3A_34 : i32
    %and3A = arith.andi %ne3A, %ne3A_35 : i1
    %sub3A = arith.constant 1 : i32
    %sub3A_36 = arith.subi %div3A, %sub3A : i32
    %select_n3A = arith.select %and3A, %sub3A_36, %div3A : i32
    %broadcast_in_dim3A_37 = arith.constant 0.000000e+00 : f32
    %broadcast_in_dim3A_38 = vector.broadcast %broadcast_in_dim3A_37 : f32 to vector<512x256xf32>
    %while3A = arith.constant 0 : i32
    %while3A_39 = arith.subi %select_n3A, %while3A : i32
    %while3A_40 = arith.addi %while3A, %while3A_39 : i32
    %while3A_41 = arith.constant 1 : i32
    %while3A_42 = arith.divsi %while3A_39, %while3A_41 : i32
    %while3A_43 = arith.muli %while3A_42, %while3A_41 : i32
    %while3A_44 = arith.addi %while3A, %while3A_43 : i32
    %while3A_45 = arith.constant 1 : i32
    %while3A_46 = scf.for %while3A_80 = %while3A to %while3A_44 step %while3A_45 iter_args(%while3A_81 = %broadcast_in_dim3A_38) -> (vector<512x256xf32>)  : i32 {
      %mul3A_82 = arith.constant 2 : i32
      %mul3A_83 = arith.muli %mul3A_82, %while3A_80 : i32
      %add3A_84 = arith.addi %get3A_15, %mul3A_83 : i32
      %add3A_85 = arith.constant 1 : i32
      %add3A_86 = arith.addi %add3A_84, %add3A_85 : i32
      %min3A = arith.constant 63 : i32
      %min3A_87 = arith.minsi %add3A_86, %min3A : i32
      %get3A_88 = arith.index_cast %add3A_84 : i32 to index
      %get3A_89 = arith.constant 0 : index
      %get3A_90 = arith.constant 0 : index
      %get3A_91 = vector.load %arg4[%get3A_88, %get3A_89, %get3A_90] : memref<64x128x256xf32, #tpu.memory_space<vmem>>, vector<1x128x256xf32>
      %get3A_92 = vector.shape_cast %get3A_91 : vector<1x128x256xf32> to vector<128x256xf32>
      %dot_general3A_93 = arith.constant dense<0.000000e+00> : vector<512x256xf32>
      %dot_general3A_94 = tpu.matmul %get3A_3, %get3A_92, %dot_general3A_93 {dimension_numbers = #tpu.dot_dimension_numbers<[1], [0], [0], [1], [0, 0, 1, 1], [], []>, transpose_lhs_hint = false} : vector<512x128xf32>, vector<128x256xf32>, vector<512x256xf32> -> vector<512x256xf32>
      %get3A_95 = arith.index_cast %add3A_84 : i32 to index
      %get3A_96 = arith.constant 0 : index
      %get3A_97 = arith.constant 0 : index
      %get3A_98 = vector.load %arg5[%get3A_95, %get3A_96, %get3A_97] : memref<64x1x256xf32, #tpu.memory_space<vmem>>, vector<1x1x256xf32>
      %get3A_99 = vector.shape_cast %get3A_98 : vector<1x1x256xf32> to vector<1x256xf32>
      %add3A_100 = vector.broadcast %get3A_99 : vector<1x256xf32> to vector<512x256xf32>
      %add3A_101 = arith.addf %dot_general3A_94, %add3A_100 : vector<512x256xf32>
      %integer_pow3A = arith.mulf %add3A_101, %add3A_101 : vector<512x256xf32>
      %integer_pow3A_102 = arith.mulf %add3A_101, %integer_pow3A : vector<512x256xf32>
      %mul3A_103 = arith.constant 4.471500e-02 : f32
      %mul3A_104 = vector.broadcast %mul3A_103 : f32 to vector<512x256xf32>
      %mul3A_105 = arith.mulf %mul3A_104, %integer_pow3A_102 : vector<512x256xf32>
      %add3A_106 = arith.addf %add3A_101, %mul3A_105 : vector<512x256xf32>
      %mul3A_107 = arith.constant 0.797884583 : f32
      %mul3A_108 = vector.broadcast %mul3A_107 : f32 to vector<512x256xf32>
      %mul3A_109 = arith.mulf %mul3A_108, %add3A_106 : vector<512x256xf32>
      %tanh3A = math.tanh %mul3A_109 : vector<512x256xf32>
      %add3A_110 = arith.constant 1.000000e+00 : f32
      %add3A_111 = vector.broadcast %add3A_110 : f32 to vector<512x256xf32>
      %add3A_112 = arith.addf %add3A_111, %tanh3A : vector<512x256xf32>
      %mul3A_113 = arith.constant 5.000000e-01 : f32
      %mul3A_114 = vector.broadcast %mul3A_113 : f32 to vector<512x256xf32>
      %mul3A_115 = arith.mulf %mul3A_114, %add3A_112 : vector<512x256xf32>
      %mul3A_116 = arith.mulf %add3A_101, %mul3A_115 : vector<512x256xf32>
      %get3A_117 = arith.index_cast %min3A_87 : i32 to index
      %get3A_118 = arith.constant 0 : index
      %get3A_119 = arith.constant 0 : index
      %get3A_120 = vector.load %arg4[%get3A_117, %get3A_118, %get3A_119] : memref<64x128x256xf32, #tpu.memory_space<vmem>>, vector<1x128x256xf32>
      %get3A_121 = vector.shape_cast %get3A_120 : vector<1x128x256xf32> to vector<128x256xf32>
      %dot_general3A_122 = arith.constant dense<0.000000e+00> : vector<512x256xf32>
      %dot_general3A_123 = tpu.matmul %get3A_3, %get3A_121, %dot_general3A_122 {dimension_numbers = #tpu.dot_dimension_numbers<[1], [0], [0], [1], [0, 0, 1, 1], [], []>, transpose_lhs_hint = false} : vector<512x128xf32>, vector<128x256xf32>, vector<512x256xf32> -> vector<512x256xf32>
      %get3A_124 = arith.index_cast %min3A_87 : i32 to index
      %get3A_125 = arith.constant 0 : index
      %get3A_126 = arith.constant 0 : index
      %get3A_127 = vector.load %arg5[%get3A_124, %get3A_125, %get3A_126] : memref<64x1x256xf32, #tpu.memory_space<vmem>>, vector<1x1x256xf32>
      %get3A_128 = vector.shape_cast %get3A_127 : vector<1x1x256xf32> to vector<1x256xf32>
      %add3A_129 = vector.broadcast %get3A_128 : vector<1x256xf32> to vector<512x256xf32>
      %add3A_130 = arith.addf %dot_general3A_123, %add3A_129 : vector<512x256xf32>
      %integer_pow3A_131 = arith.mulf %add3A_130, %add3A_130 : vector<512x256xf32>
      %integer_pow3A_132 = arith.mulf %add3A_130, %integer_pow3A_131 : vector<512x256xf32>
      %mul3A_133 = arith.constant 4.471500e-02 : f32
      %mul3A_134 = vector.broadcast %mul3A_133 : f32 to vector<512x256xf32>
      %mul3A_135 = arith.mulf %mul3A_134, %integer_pow3A_132 : vector<512x256xf32>
      %add3A_136 = arith.addf %add3A_130, %mul3A_135 : vector<512x256xf32>
      %mul3A_137 = arith.constant 0.797884583 : f32
      %mul3A_138 = vector.broadcast %mul3A_137 : f32 to vector<512x256xf32>
      %mul3A_139 = arith.mulf %mul3A_138, %add3A_136 : vector<512x256xf32>
      %tanh3A_140 = math.tanh %mul3A_139 : vector<512x256xf32>
      %add3A_141 = arith.constant 1.000000e+00 : f32
      %add3A_142 = vector.broadcast %add3A_141 : f32 to vector<512x256xf32>
      %add3A_143 = arith.addf %add3A_142, %tanh3A_140 : vector<512x256xf32>
      %mul3A_144 = arith.constant 5.000000e-01 : f32
      %mul3A_145 = vector.broadcast %mul3A_144 : f32 to vector<512x256xf32>
      %mul3A_146 = arith.mulf %mul3A_145, %add3A_143 : vector<512x256xf32>
      %mul3A_147 = arith.mulf %add3A_130, %mul3A_146 : vector<512x256xf32>
      %eq3A_148 = vector.broadcast %add3A_84 : i32 to vector<512x1xi32>
      %eq3A_149 = arith.cmpi eq, %broadcast_in_dim3A, %eq3A_148 : vector<512x1xi32>
      %broadcast_in_dim3A_150 = vector.shape_cast %eq3A_149 : vector<512x1xi1> to vector<512x1xi1>
      %broadcast_in_dim3A_151 = vector.broadcast %broadcast_in_dim3A_150 : vector<512x1xi1> to vector<512x256xi1>
      %select_n3A_152 = arith.select %broadcast_in_dim3A_151, %mul3A_116, %while3A_81 : vector<512x256xi1>, vector<512x256xf32>
      %add3A_153 = arith.constant 1 : i32
      %add3A_154 = arith.addi %add3A_84, %add3A_153 : i32
      %eq3A_155 = vector.broadcast %add3A_154 : i32 to vector<512x1xi32>
      %eq3A_156 = arith.cmpi eq, %broadcast_in_dim3A, %eq3A_155 : vector<512x1xi32>
      %broadcast_in_dim3A_157 = vector.shape_cast %eq3A_156 : vector<512x1xi1> to vector<512x1xi1>
      %broadcast_in_dim3A_158 = vector.broadcast %broadcast_in_dim3A_157 : vector<512x1xi1> to vector<512x256xi1>
      %select_n3A_159 = arith.select %broadcast_in_dim3A_158, %mul3A_147, %select_n3A_152 : vector<512x256xi1>, vector<512x256xf32>
      scf.yield %select_n3A_159 : vector<512x256xf32>
    }
    %while3A_47 = arith.constant 1 : i32
    %while3A_48 = scf.for %while3A_80 = %while3A_44 to %while3A_40 step %while3A_47 iter_args(%while3A_81 = %while3A_46) -> (vector<512x256xf32>)  : i32 {
      %mul3A_82 = arith.constant 2 : i32
      %mul3A_83 = arith.muli %mul3A_82, %while3A_80 : i32
      %add3A_84 = arith.addi %get3A_15, %mul3A_83 : i32
      %add3A_85 = arith.constant 1 : i32
      %add3A_86 = arith.addi %add3A_84, %add3A_85 : i32
      %min3A = arith.constant 63 : i32
      %min3A_87 = arith.minsi %add3A_86, %min3A : i32
      %get3A_88 = arith.index_cast %add3A_84 : i32 to index
      %get3A_89 = arith.constant 0 : index
      %get3A_90 = arith.constant 0 : index
      %get3A_91 = vector.load %arg4[%get3A_88, %get3A_89, %get3A_90] : memref<64x128x256xf32, #tpu.memory_space<vmem>>, vector<1x128x256xf32>
      %get3A_92 = vector.shape_cast %get3A_91 : vector<1x128x256xf32> to vector<128x256xf32>
      %dot_general3A_93 = arith.constant dense<0.000000e+00> : vector<512x256xf32>
      %dot_general3A_94 = tpu.matmul %get3A_3, %get3A_92, %dot_general3A_93 {dimension_numbers = #tpu.dot_dimension_numbers<[1], [0], [0], [1], [0, 0, 1, 1], [], []>, transpose_lhs_hint = false} : vector<512x128xf32>, vector<128x256xf32>, vector<512x256xf32> -> vector<512x256xf32>
      %get3A_95 = arith.index_cast %add3A_84 : i32 to index
      %get3A_96 = arith.constant 0 : index
      %get3A_97 = arith.constant 0 : index
      %get3A_98 = vector.load %arg5[%get3A_95, %get3A_96, %get3A_97] : memref<64x1x256xf32, #tpu.memory_space<vmem>>, vector<1x1x256xf32>
      %get3A_99 = vector.shape_cast %get3A_98 : vector<1x1x256xf32> to vector<1x256xf32>
      %add3A_100 = vector.broadcast %get3A_99 : vector<1x256xf32> to vector<512x256xf32>
      %add3A_101 = arith.addf %dot_general3A_94, %add3A_100 : vector<512x256xf32>
      %integer_pow3A = arith.mulf %add3A_101, %add3A_101 : vector<512x256xf32>
      %integer_pow3A_102 = arith.mulf %add3A_101, %integer_pow3A : vector<512x256xf32>
      %mul3A_103 = arith.constant 4.471500e-02 : f32
      %mul3A_104 = vector.broadcast %mul3A_103 : f32 to vector<512x256xf32>
      %mul3A_105 = arith.mulf %mul3A_104, %integer_pow3A_102 : vector<512x256xf32>
      %add3A_106 = arith.addf %add3A_101, %mul3A_105 : vector<512x256xf32>
      %mul3A_107 = arith.constant 0.797884583 : f32
      %mul3A_108 = vector.broadcast %mul3A_107 : f32 to vector<512x256xf32>
      %mul3A_109 = arith.mulf %mul3A_108, %add3A_106 : vector<512x256xf32>
      %tanh3A = math.tanh %mul3A_109 : vector<512x256xf32>
      %add3A_110 = arith.constant 1.000000e+00 : f32
      %add3A_111 = vector.broadcast %add3A_110 : f32 to vector<512x256xf32>
      %add3A_112 = arith.addf %add3A_111, %tanh3A : vector<512x256xf32>
      %mul3A_113 = arith.constant 5.000000e-01 : f32
      %mul3A_114 = vector.broadcast %mul3A_113 : f32 to vector<512x256xf32>
      %mul3A_115 = arith.mulf %mul3A_114, %add3A_112 : vector<512x256xf32>
      %mul3A_116 = arith.mulf %add3A_101, %mul3A_115 : vector<512x256xf32>
      %get3A_117 = arith.index_cast %min3A_87 : i32 to index
      %get3A_118 = arith.constant 0 : index
      %get3A_119 = arith.constant 0 : index
      %get3A_120 = vector.load %arg4[%get3A_117, %get3A_118, %get3A_119] : memref<64x128x256xf32, #tpu.memory_space<vmem>>, vector<1x128x256xf32>
      %get3A_121 = vector.shape_cast %get3A_120 : vector<1x128x256xf32> to vector<128x256xf32>
      %dot_general3A_122 = arith.constant dense<0.000000e+00> : vector<512x256xf32>
      %dot_general3A_123 = tpu.matmul %get3A_3, %get3A_121, %dot_general3A_122 {dimension_numbers = #tpu.dot_dimension_numbers<[1], [0], [0], [1], [0, 0, 1, 1], [], []>, transpose_lhs_hint = false} : vector<512x128xf32>, vector<128x256xf32>, vector<512x256xf32> -> vector<512x256xf32>
      %get3A_124 = arith.index_cast %min3A_87 : i32 to index
      %get3A_125 = arith.constant 0 : index
      %get3A_126 = arith.constant 0 : index
      %get3A_127 = vector.load %arg5[%get3A_124, %get3A_125, %get3A_126] : memref<64x1x256xf32, #tpu.memory_space<vmem>>, vector<1x1x256xf32>
      %get3A_128 = vector.shape_cast %get3A_127 : vector<1x1x256xf32> to vector<1x256xf32>
      %add3A_129 = vector.broadcast %get3A_128 : vector<1x256xf32> to vector<512x256xf32>
      %add3A_130 = arith.addf %dot_general3A_123, %add3A_129 : vector<512x256xf32>
      %integer_pow3A_131 = arith.mulf %add3A_130, %add3A_130 : vector<512x256xf32>
      %integer_pow3A_132 = arith.mulf %add3A_130, %integer_pow3A_131 : vector<512x256xf32>
      %mul3A_133 = arith.constant 4.471500e-02 : f32
      %mul3A_134 = vector.broadcast %mul3A_133 : f32 to vector<512x256xf32>
      %mul3A_135 = arith.mulf %mul3A_134, %integer_pow3A_132 : vector<512x256xf32>
      %add3A_136 = arith.addf %add3A_130, %mul3A_135 : vector<512x256xf32>
      %mul3A_137 = arith.constant 0.797884583 : f32
      %mul3A_138 = vector.broadcast %mul3A_137 : f32 to vector<512x256xf32>
      %mul3A_139 = arith.mulf %mul3A_138, %add3A_136 : vector<512x256xf32>
      %tanh3A_140 = math.tanh %mul3A_139 : vector<512x256xf32>
      %add3A_141 = arith.constant 1.000000e+00 : f32
      %add3A_142 = vector.broadcast %add3A_141 : f32 to vector<512x256xf32>
      %add3A_143 = arith.addf %add3A_142, %tanh3A_140 : vector<512x256xf32>
      %mul3A_144 = arith.constant 5.000000e-01 : f32
      %mul3A_145 = vector.broadcast %mul3A_144 : f32 to vector<512x256xf32>
      %mul3A_146 = arith.mulf %mul3A_145, %add3A_143 : vector<512x256xf32>
      %mul3A_147 = arith.mulf %add3A_130, %mul3A_146 : vector<512x256xf32>
      %eq3A_148 = vector.broadcast %add3A_84 : i32 to vector<512x1xi32>
      %eq3A_149 = arith.cmpi eq, %broadcast_in_dim3A, %eq3A_148 : vector<512x1xi32>
      %broadcast_in_dim3A_150 = vector.shape_cast %eq3A_149 : vector<512x1xi1> to vector<512x1xi1>
      %broadcast_in_dim3A_151 = vector.broadcast %broadcast_in_dim3A_150 : vector<512x1xi1> to vector<512x256xi1>
      %select_n3A_152 = arith.select %broadcast_in_dim3A_151, %mul3A_116, %while3A_81 : vector<512x256xi1>, vector<512x256xf32>
      %add3A_153 = arith.constant 1 : i32
      %add3A_154 = arith.addi %add3A_84, %add3A_153 : i32
      %eq3A_155 = vector.broadcast %add3A_154 : i32 to vector<512x1xi32>
      %eq3A_156 = arith.cmpi eq, %broadcast_in_dim3A, %eq3A_155 : vector<512x1xi32>
      %broadcast_in_dim3A_157 = vector.shape_cast %eq3A_156 : vector<512x1xi1> to vector<512x1xi1>
      %broadcast_in_dim3A_158 = vector.broadcast %broadcast_in_dim3A_157 : vector<512x1xi1> to vector<512x256xi1>
      %select_n3A_159 = arith.select %broadcast_in_dim3A_158, %mul3A_147, %select_n3A_152 : vector<512x256xi1>, vector<512x256xf32>
      scf.yield %select_n3A_159 : vector<512x256xf32>
    }
    %get3A_49 = arith.constant 0 : index
    %get3A_50 = arith.constant 128 : index
    %get3A_51 = vector.load %arg3[%get3A_49, %get3A_50] : memref<512x256xf32, #tpu.memory_space<vmem>>, vector<512x2xf32>
    %iota3A_52 = tpu.iota {dimensions = array<i32: 0>} : vector<512x512xi32>
    %iota3A_53 = tpu.iota {dimensions = array<i32: 1>} : vector<512x512xi32>
    %eq3A_54 = arith.cmpi eq, %iota3A_52, %iota3A_53 : vector<512x512xi32>
    %convert_element_type3A_55 = arith.extui %eq3A_54 : vector<512x512xi1> to vector<512x512xi32>
    %convert_element_type3A_56 = arith.sitofp %convert_element_type3A_55 : vector<512x512xi32> to vector<512x512xf32>
    %dot_general3A = arith.constant dense<0.000000e+00> : vector<2x512xf32>
    %dot_general3A_57 = tpu.matmul %get3A_51, %convert_element_type3A_56, %dot_general3A {dimension_numbers = #tpu.dot_dimension_numbers<[0], [0], [1], [1], [0, 1, 1, 1], [], []>, precision = #tpu.contract_precision<fp32>, transpose_lhs_hint = false} : vector<512x2xf32>, vector<512x512xf32>, vector<2x512xf32> -> vector<2x512xf32>
    %slice3A = vector.extract_strided_slice %dot_general3A_57 {offsets = [0, 0], sizes = [1, 512], strides = [1, 1]} : vector<2x512xf32> to vector<1x512xf32>
    %slice3A_58 = vector.extract_strided_slice %dot_general3A_57 {offsets = [1, 0], sizes = [1, 512], strides = [1, 1]} : vector<2x512xf32> to vector<1x512xf32>
    %iota3A_59 = tpu.iota {dimensions = array<i32: 0>} : vector<4x512xi32>
    %convert_element_type3A_60 = arith.sitofp %iota3A_59 : vector<4x512xi32> to vector<4x512xf32>
    %eq3A_61 = vector.broadcast %slice3A_58 : vector<1x512xf32> to vector<4x512xf32>
    %eq3A_62 = arith.cmpf oeq, %convert_element_type3A_60, %eq3A_61 : vector<4x512xf32>
    %convert_element_type3A_63 = arith.extui %eq3A_62 : vector<4x512xi1> to vector<4x512xi32>
    %convert_element_type3A_64 = arith.sitofp %convert_element_type3A_63 : vector<4x512xi32> to vector<4x512xf32>
    %mul3A_65 = vector.broadcast %slice3A : vector<1x512xf32> to vector<4x512xf32>
    %mul3A_66 = arith.mulf %convert_element_type3A_64, %mul3A_65 : vector<4x512xf32>
    %get3A_67 = arith.constant 0 : index
    %get3A_68 = arith.constant 0 : index
    %get3A_69 = vector.load %arg10[%get3A_67, %get3A_68] : memref<4x256xf32, #tpu.memory_space<vmem>>, vector<4x256xf32>
    %dot_general3A_70 = arith.constant dense<0.000000e+00> : vector<4x256xf32>
    %dot_general3A_71 = tpu.matmul %mul3A_66, %while3A_48, %dot_general3A_70 {dimension_numbers = #tpu.dot_dimension_numbers<[1], [0], [0], [1], [0, 0, 1, 1], [], []>, precision = #tpu.contract_precision<fp32>, transpose_lhs_hint = false} : vector<4x512xf32>, vector<512x256xf32>, vector<4x256xf32> -> vector<4x256xf32>
    %add3A_72 = arith.addf %get3A_69, %dot_general3A_71 : vector<4x256xf32>
    %swap3A = arith.constant 0 : index
    %swap3A_73 = arith.constant 0 : index
    %swap3A_74 = vector.load %arg10[%swap3A, %swap3A_73] : memref<4x256xf32, #tpu.memory_space<vmem>>, vector<4x256xf32>
    tpu.vector_store %arg10[%swap3A, %swap3A_73], %add3A_72 {strides = array<i32>} : memref<4x256xf32, #tpu.memory_space<vmem>>, vector<4x256xf32>,
    %eq3A_75 = arith.constant 7 : i32
    %eq3A_76 = arith.cmpi eq, %arg0, %eq3A_75 : i32
    %convert_element_type3A_77 = arith.extui %eq3A_76 : i1 to i32
    %cond3A_78 = arith.constant 0 : i32
    %cond3A_79 = arith.cmpi ne, %convert_element_type3A_77, %cond3A_78 : i32
    scf.if %cond3A_79 {
      %get3A_80 = arith.constant 0 : index
      %get3A_81 = arith.constant 0 : index
      %get3A_82 = vector.load %arg10[%get3A_80, %get3A_81] : memref<4x256xf32, #tpu.memory_space<vmem>>, vector<4x256xf32>
      %mul3A_83 = arith.constant 9.765625E-4 : f32
      %mul3A_84 = vector.broadcast %mul3A_83 : f32 to vector<4x256xf32>
      %mul3A_85 = arith.mulf %get3A_82, %mul3A_84 : vector<4x256xf32>
      %get3A_86 = arith.constant 0 : index
      %get3A_87 = arith.constant 0 : index
      %get3A_88 = vector.load %arg7[%get3A_86, %get3A_87] : memref<256x1000xf32, #tpu.memory_space<vmem>>, vector<256x1000xf32>
      %dot_general3A_89 = arith.constant dense<0.000000e+00> : vector<4x1000xf32>
      %dot_general3A_90 = tpu.matmul %mul3A_85, %get3A_88, %dot_general3A_89 {dimension_numbers = #tpu.dot_dimension_numbers<[1], [0], [0], [1], [0, 0, 1, 1], [], []>, transpose_lhs_hint = false} : vector<4x256xf32>, vector<256x1000xf32>, vector<4x1000xf32> -> vector<4x1000xf32>
      %get3A_91 = arith.constant 0 : index
      %get3A_92 = arith.constant 0 : index
      %get3A_93 = vector.load %arg8[%get3A_91, %get3A_92] : memref<1x1000xf32, #tpu.memory_space<vmem>>, vector<1x1000xf32>
      %add3A_94 = vector.broadcast %get3A_93 : vector<1x1000xf32> to vector<4x1000xf32>
      %add3A_95 = arith.addf %dot_general3A_90, %add3A_94 : vector<4x1000xf32>
      %swap3A_96 = arith.constant 0 : index
      %swap3A_97 = arith.constant 0 : index
      %swap3A_98 = vector.load %arg9[%swap3A_96, %swap3A_97] : memref<4x1000xf32, #tpu.memory_space<vmem>>, vector<4x1000xf32>
      tpu.vector_store %arg9[%swap3A_96, %swap3A_97], %add3A_95 {strides = array<i32>} : memref<4x1000xf32, #tpu.memory_space<vmem>>, vector<4x1000xf32>,
    } else {
    }
    return
  }
  func.func @transform_0(%arg0: i32) -> (i32, i32) {
    %c0_i32 = arith.constant 0 : i32
    %c0_i32_0 = arith.constant 0 : i32
    %c0_i32_1 = arith.constant 0 : i32
    return %c0_i32, %c0_i32_0 : i32, i32
  }
  func.func @transform_1(%arg0: i32) -> (i32, i32) {
    %c0_i32 = arith.constant 0 : i32
    %c0_i32_0 = arith.constant 0 : i32
    %c0_i32_1 = arith.constant 0 : i32
    return %c0_i32, %c0_i32_0 : i32, i32
  }
  func.func @transform_2(%arg0: i32) -> (i32, i32) {
    %c0_i32 = arith.constant 0 : i32
    %c0_i32_0 = arith.constant 0 : i32
    return %arg0, %c0_i32 : i32, i32
  }
  func.func @transform_3(%arg0: i32) -> (i32, i32, i32) {
    %c0_i32 = arith.constant 0 : i32
    %c0_i32_0 = arith.constant 0 : i32
    %c0_i32_1 = arith.constant 0 : i32
    %c0_i32_2 = arith.constant 0 : i32
    return %c0_i32, %c0_i32_0, %c0_i32_1 : i32, i32, i32
  }
  func.func @transform_4(%arg0: i32) -> (i32, i32, i32) {
    %c0_i32 = arith.constant 0 : i32
    %c0_i32_0 = arith.constant 0 : i32
    %c0_i32_1 = arith.constant 0 : i32
    %c0_i32_2 = arith.constant 0 : i32
    return %c0_i32, %c0_i32_0, %c0_i32_1 : i32, i32, i32
  }
  func.func @transform_5(%arg0: i32) -> (i32, i32) {
    %c0_i32 = arith.constant 0 : i32
    %c0_i32_0 = arith.constant 0 : i32
    %c0_i32_1 = arith.constant 0 : i32
    return %c0_i32, %c0_i32_0 : i32, i32
  }
  func.func @transform_6(%arg0: i32) -> (i32, i32) {
    %c0_i32 = arith.constant 0 : i32
    %c0_i32_0 = arith.constant 0 : i32
    %c0_i32_1 = arith.constant 0 : i32
    return %c0_i32, %c0_i32_0 : i32, i32
  }
  func.func @transform_7(%arg0: i32) -> (i32, i32) {
    %c0_i32 = arith.constant 0 : i32
    %c0_i32_0 = arith.constant 0 : i32
    %c0_i32_1 = arith.constant 0 : i32
    return %c0_i32, %c0_i32_0 : i32, i32
  }
  func.func @transform_8(%arg0: i32) -> (i32, i32) {
    %c0_i32 = arith.constant 0 : i32
    %c0_i32_0 = arith.constant 0 : i32
    %c0_i32_1 = arith.constant 0 : i32
    return %c0_i32, %c0_i32_0 : i32, i32
  }
}

</mosaic_0001>

<sc_bundles>
// kernel: kernel.6.cloned.1.call-start
scs
__scs_entry_jumppad:
0x0: {  	(pc) =	sbr.rel $0x88, $3  }
0x1: {  	(tag) =	ssettag $0x0;
	lr =	simm.s32 $0x1  }
0x2: {  	[smem:$0x3F88] =	sst lr;
	_ =	strace $0xD0000000  }
0x3: {  	_ = 	snop  }
0x4: {  	_ = 	snop  }
0x5: {  	_ = 	snop  }
0x6: {  	_ = 	snop  }
0x7: {  	_ = 	snop  }
__scs_overlays_trampoline_lowered:
0x8: {  	[smem:$0x3F97] =	sst s0  }
0x9: {  	[smem:$0x3F98] =	sst s1  }
0xa: {  	[smem:$0x3F99] =	sst s2  }
0xb: {  	[smem:$0x3F9A] =	sst s3  }
0xc: {  	[smem:$0x3F9B] =	sst s4  }
0xd: {  	[smem:$0x3F9C] =	sst s5  }
0xe: {  	[smem:$0x3F9D] =	sst s6  }
0xf: {  	[smem:$0x3F9E] =	sst s7  }
0x10: {  	[smem:$0x3F9F] =	sst s8  }
0x11: {  	[smem:$0x3FA0] =	sst s9;
	s0 =	simm.s32 @!p0 $0x0  }
0x12: {  	s1 =	sld [smem:$0x3F86];
	s0 =	simm.s32 @p0 $0x1  }
0x13: {  	[smem:$0x3FA1] =	sst s0;
	s0 =	simm.s32 @!p1 $0x0  }
0x14: {  	s2 =	sld [smem:$0x3F85];
	s0 =	simm.s32 @p1 $0x1  }
0x15: {  	[smem:$0x3FA2] =	sst s0;
	s0 =	simm.s32 @!p2 $0x0  }
0x16: {  	s3 =	sld [smem:$0x3FDB];
	s0 =	simm.s32 @p2 $0x1  }
0x17: {  	s4 =	simm.s32 $0x1BF5;
	[smem:$0x3FA4] =	sst s0  }
0x18: {  	s0 =	sld [smem:$0x3F87];
	_ =	swait.ge [sflag:s4], $0x0  }
0x19: {  	s7 =	sld [smem:$0x3F88]  }
0x1a: {  	s8 =	sadd.s32 $0xFFFFE003, lr  }
0x1b: {  	s9 =	sadd.s32 $0xFFFFFEF7, lr;
	s5 =	simm.s32 $0xFFFFFFFF;
	p2 =	slt.u32 s8, $0xFFFFF086  }
0x1c: {  	p1 =	slt.u32 s9, $0xF7A;
	s5 =	simm.s32 @!p2 $0x0  }
0x1d: {  	s5 =	simm.s32 @p1 $0x1;
	p0 =	seq.s32 s7, s2  }
0x1e: {  	s7 =	smul.u32 @!p0 $0xF7A, s2;
	p2 =	seq.s32 @!p0 s5, $0x0  }
0x1f: {  	s9 =	smul.u32 $0xF7A, s1;
	s8 =	simm.s32 @!p0 $0x1BF5;
	p2 =	por !p2, p0  }
0x20: {  	[sflag:s8] =	ssyncset.s32 @!p0 $0xFFFFF086;
	s6 =	sadd.s32 @!p0 s3, s7;
	s7 =	simm.s32 @!p0 $0x108  }
0x21: {  	s3 =	sadd.s32 s3, s9;
	s6 =	sadd.s32 @!p0 $0x88, s6;
	s7 =	simm.s32 @p2 $0x1082  }
0x22: {  	[simem:s7], [sflag:s8] =	dma.local @!p0 [hbm:s6], $0xF7A  }
0x23: {  	s9 =	sor.u32 $0xD0000000, s2;
	s6 =	simm.s32 $0x108;
	_ =	swait.ge @!p0 [sflag:s8], $0x0  }
0x24: {  	s3 =	sadd.s32 $0x88, s3;
	s6 =	simm.s32 @!p1 $0x1082;
	[sflag:s4] =	ssyncset.s32 $0xFFFFF086  }
0x25: {  	[simem:s6], [sflag:s4] =	dma.local [hbm:s3], $0xF7A  }
0x26: {  	[smem:$0x3F88] =	sst s1;
	(tag) =	ssettag s2;
	_ =	strace s9  }
0x27: {  	s1 =	sld [smem:$0x3F98]  }
0x28: {  	s2 =	sld [smem:$0x3F99]  }
0x29: {  	s4 =	sld [smem:$0x3F9B]  }
0x2a: {  	p0 =	seq.s32 s5, $0x0;
	s5 =	sld [smem:$0x3F9C]  }
0x2b: {  	s6 =	sld [smem:$0x3F9D]  }
0x2c: {  	s7 =	sld [smem:$0x3F9E]  }
0x2d: {  	s3 =	simm.s32 $0x108;
	s8 =	sld [smem:$0x3F9F]  }
0x2e: {  	s3 =	simm.s32 @!p0 $0x1082;
	s9 =	sld [smem:$0x3FA0]  }
0x2f: {  	lr =	sadd.s32 s0, s3;
	s0 =	sld [smem:$0x3F97]  }
0x30: {  	s3 =	sld [smem:$0x3F9A]  }
0x31: {  	[smem:$0x3FA3] =	sst s10  }
0x32: {  	s10 =	sld [smem:$0x3FA1];
	_ =	sdelay $0x3  }
0x33: {  	p0 =	seq.s32 s10, $0x1;
	s10 =	sld [smem:$0x3FA3];
	_ =	sdelay $0x3  }
0x34: {  	[smem:$0x3FA3] =	sst s10  }
0x35: {  	s10 =	sld [smem:$0x3FA2];
	_ =	sdelay $0x3  }
0x36: {  	p1 =	seq.s32 s10, $0x1;
	s10 =	sld [smem:$0x3FA3];
	_ =	sdelay $0x3  }
0x37: {  	[smem:$0x3FA3] =	sst s10  }
0x38: {  	s10 =	sld [smem:$0x3FA4]  }
0x39: {  	_ = 	snop;
	(pc) =	sbr.ind lr, $3  }
0x3a: {  	_ = 	snop  }
0x3b: {  	_ = 	snop  }
0x3c: {  	p2 =	seq.s32 s10, $0x1;
	s10 =	sld [smem:$0x3FA3]  }
0x3d: {  	_ =	shalt  }
0x3e: {  	_ =	shalt  }
0x3f: {  	_ =	shalt  }
0x40: {  	_ =	shalt  }
0x41: {  	_ =	shalt  }
0x42: {  	_ =	shalt  }
0x43: {  	_ =	shalt  }
0x44: {  	_ =	shalt  }
0x45: {  	_ =	shalt  }
0x46: {  	_ =	shalt  }
0x47: {  	_ =	shalt  }
0x48: {  	_ =	shalt  }
0x49: {  	_ =	shalt  }
0x4a: {  	_ =	shalt  }
0x4b: {  	_ =	shalt  }
0x4c: {  	_ =	shalt  }
0x4d: {  	_ =	shalt  }
0x4e: {  	_ =	shalt  }
0x4f: {  	_ =	shalt  }
0x50: {  	_ =	shalt  }
0x51: {  	_ =	shalt  }
0x52: {  	_ =	shalt  }
0x53: {  	_ =	shalt  }
0x54: {  	_ =	shalt  }
0x55: {  	_ =	shalt  }
0x56: {  	_ =	shalt  }
0x57: {  	_ =	shalt  }
0x58: {  	_ =	shalt  }
0x59: {  	_ =	shalt  }
0x5a: {  	_ =	shalt  }
0x5b: {  	_ =	shalt  }
0x5c: {  	_ =	shalt  }
0x5d: {  	_ =	shalt  }
0x5e: {  	_ =	shalt  }
0x5f: {  	_ =	shalt  }
0x60: {  	_ =	shalt  }
0x61: {  	_ =	shalt  }
0x62: {  	_ =	shalt  }
0x63: {  	_ =	shalt  }
0x64: {  	_ =	shalt  }
0x65: {  	_ =	shalt  }
0x66: {  	_ =	shalt  }
0x67: {  	_ =	shalt  }
0x68: {  	_ =	shalt  }
0x69: {  	_ =	shalt  }
0x6a: {  	_ =	shalt  }
0x6b: {  	_ =	shalt  }
0x6c: {  	_ =	shalt  }
0x6d: {  	_ =	shalt  }
0x6e: {  	_ =	shalt  }
0x6f: {  	_ =	shalt  }
0x70: {  	_ =	shalt  }
0x71: {  	_ =	shalt  }
0x72: {  	_ =	shalt  }
0x73: {  	_ =	shalt  }
0x74: {  	_ =	shalt  }
0x75: {  	_ =	shalt  }
0x76: {  	_ =	shalt  }
0x77: {  	_ =	shalt  }
0x78: {  	_ =	shalt  }
0x79: {  	_ =	shalt  }
0x7a: {  	_ =	shalt  }
0x7b: {  	_ =	shalt  }
0x7c: {  	_ =	shalt  }
0x7d: {  	_ =	shalt  }
0x7e: {  	_ =	shalt  }
0x7f: {  	_ =	shalt  }
0x80: {  	_ =	shalt  }
0x81: {  	_ =	shalt  }
0x82: {  	_ =	shalt  }
0x83: {  	_ =	shalt  }
0x84: {  	_ =	shalt  }
0x85: {  	_ =	shalt  }
0x86: {  	_ =	shalt  }
0x87: {  	_ =	shalt  }
.Lfunc_end0:
.L_simem_size_0:
called_computation_lowered:
.L_overlay_start_0:
0x88: {  	s2 =	sld [smem:$0x3FD9]  }
0x89: {  	s3 =	sld [smem:$0x3FFE];
	_ =	sdelay $0x1  }
0x8a: {  	s1 =	srdreg.scid  }
0x8b: {  	s0 =	sand.u32 $0x1, s1  }
0x8c: {  	s16 =	sshll.u32 s0, $0xA;
	s2 =	sadd.s32 s3, s2  }
0x8d: {  	s2 =	sadd.s32 s2, s16  }
0x8e: {  	[smem:$0x3FAF] =	sst s2  }
0x8f: {  	_ = 	snop  }
0x90: {  	(tm) =	ssettm $0x1  }
0x91: {  	s17 =	sld [smem:$0x3FFB];
	_ =	sdelay $0x3  }
0x92: {  	_ =	strace s17  }
0x93: {  	s2 =	sld [smem:$0x3FFC];
	_ =	sdelay $0x3  }
0x94: {  	_ =	strace s2  }
0x95: {  	s2 =	sld [smem:$0x3FFD];
	_ =	sdelay $0x3  }
0x96: {  	_ =	strace s2  }
0x97: {  	_ =	strace $0x8FFFFFFF  }
0x98: {  	s18 =	sld [smem:$0x3FDB];
	_ =	sdelay $0x1  }
0x99: {  	s19 =	simm.s32 $_scs_section_size  }
0x9a: {  	s4 =	simm.s32 $_size__tile_overlayer_lowered;
	s5 =	simm.s32 $_tile_overlayer_lowered  }
0x9b: {  	s22 =	simm.s32 $0x1BFF;
	s21 =	sshll.u32 s5, $0x1;
	s2 =	sadd.s32 s19, s18  }
0x9c: {  	s6 =	simm.s32 $0x0;
	s20 =	sshll.u32 s4, $0x1;
	s4 =	sadd.s32 s21, s2  }
0x9d: {  	[timem:s6], [sflag:s22] =	dma.local [hbm:s4], s20  }
0x9e: {  	_ =	swait.ge [sflag:s22], s20  }
0x9f: {  	s3 =	ssub.s32 $0x0, s20;
	[sflag:s22] =	ssyncset.done $0x0  }
0xa0: {  	[sflag:s22] =	ssyncadd.s32 s3;
	_ =	sdelay $0x1  }
0xa1: {  	s23 =	simm.s32 $0x1B8B  }
0xa2: {  	_ =	swait.ge [sflag:s23], $0x1  }
0xa3: {  	[sflag:s23] =	ssyncset.done $0x0  }
0xa4: {  	s25 =	simm.s32 $0x1B8E;
	s24 =	sld [smem:$0x3FFE];
	[sflag:s23] =	ssyncadd.s32 $0xFFFFFFFF  }
0xa5: {  	s26 =	simm.s32 $execute0_lowered;
	[smem:$0x3FD2] =	sst s25  }
0xa6: {  	s4 =	sshll.u32 s26, $0x1;
	_ =	strace $0x80000046;
	[dreg:$0x1] =	wrdreg $0xFFFFFFFF  }
0xa7: {  	s28 =	simm.s32 $_size_execute0_lowered;
	s2 =	sadd.s32 s2, s4;
	[dreg:$0x0] =	wrdreg $0x0  }
0xa8: {  	s4 =	sshll.u32 s28, $0x1;
	[dreg:$0x2] =	wrdreg s2  }
0xa9: {  	[dreg:$0x3] =	wrdreg s4  }
0xaa: {  	[dreg:$0x4] =	wrdreg $0xC0  }
0xab: {  	_ =	task [dreg:s6], $0x5FFFF  }
0xac: {  	[dreg:$0x1] =	wrdreg $0xFFFFFFFF  }
0xad: {  	[dreg:$0x0] =	wrdreg $0x60  }
0xae: {  	[dreg:$0x2] =	wrdreg s24  }
0xaf: {  	[dreg:$0x3] =	wrdreg $0x9  }
0xb0: {  	_ =	task.clear_ibuf [dreg:s6], $0x4FFFF;
	_ =	strace $0x90000046  }
0xb1: {  	s29 =	simm.s32 $0x9;
	_ =	strace $0x80000048  }
0xb2: {  	_ =	swait.ge [sflag:s29], $0x1  }
0xb3: {  	[sflag:s29] =	ssyncadd.s32 $0xFFFFFFFF  }
0xb4: {  	_ =	strace $0x90000048  }
0xb5: {  	_ =	sfence  }
0xb6: {  	s30 =	sld [smem:$0x0];
	_ =	sdelay $0x2  }
0xb7: {  	s31 =	sshll.u32 s1, $0xD;
	s1 =	sshrl.u32 s1, $0x2  }
0xb8: {  	s3 =	sand.u32 $0x4000, s31;
	s1 =	sadd.s32 s1, s30  }
0xb9: {  	s0 =	sor.u32 s3, s0;
	s1 =	sshll.u32 s1, $0x11  }
0xba: {  	s0 =	sor.u32 s1, s0  }
0xbb: {  	s0 =	sadd.s32 $0x8F2B, s0  }
0xbc: {  	[sflag:s0] =	ssyncadd.remote.s32 $0x1  }
0xbd: {  	_ =	sfence.sel $0xFFFF  }
0xbe: {  	[dreg:$0x0] =	wrdreg $0xFFFFFFFF;
	(pc) =	sbr.abs _section_cstart, $3  }
0xbf: {  	[dreg:$0x1] =	wrdreg $0xFFFFFFFF  }
0xc0: {  	_ =	task.clear_ibuf [dreg:s6], $0x2FFFF;
	_ =	strace $0x9FFFFFFF  }
0xc1: {  	(tm) =	ssettm $0x7FFFFFFF  }
tec
execute0_lowered:
.L_overlay_start_1:
0x0: {  	(tag) =	ssettag $0x1  }
0x1: {  	s1 =	srdreg.scid;
	s0 =	stileid.u32  }
0x2: {  	s6 =	sand.u32 $0x1, s1;
	s30 =	sshll.u32 s0, $0x1  }
0x3: {  	s8 =	rddreg [dreg:$0x0];
	s7 =	sor.u32 s6, s30  }
0x4: {  	s2 =	simm.s32 $0x0;
	s1 =	rddreg [dreg:$0x1];
	s3 =	smul.u32 $0x300, s7  }
0x5: {  	[smem:$0x7FF] =	sst s2;
	s5 =	sadd.s32 $0xA000, s8  }
0x6: {  	_ =	strace $0x80000047;
	s10 =	ssub.s32 $0x2, s6;
	s3 =	sadd.s32 s3, s8  }
0x7: {  	s6 =	simm.s32 $0x1800;
	s4 =	sadd.s32 $0x4000, s3;
	s3 =	simm.s32 $0x2  }
0x8: {  	[tilespmem:s2], [sflag:$0x2] =	stream.linear.gather [hbm4b:s4+s2], $0x1800, $0x38;
	[tilespmem:$0x19800] =	vst v63  }
0x9: {  	s9 =	smul.u32 $0x3000, s7;
	s11 =	sshrl.u32 s10, $0x1;
	_ =	swait.ge [sflag:s3], $0x1800  }
0xa: {  	s7 =	simm.s32 $0x1;
	s31 =	ssub.s32 s10, s11;
	[sflag:s3] =	ssyncset.done $0x0  }
0xb: {  	s8 =	sadd.s32 s9, s8;
	s9 =	smax.u32 s31, $0x1;
	[sflag:s3] =	ssyncadd.s32 $0xFFFFE800  }
0xc: {  	[tilespmem:s6], [sflag:$0x1] =	stream.indirect.gather [hbm4b:s5+s6], $0x10, s2, s6, $0xb8;
	[tilespmem:$0x19800] =	vst v63  }
0xd: {  	p0 =	sne.s32 s9, $0x1;
	_ =	swait.ge [sflag:s7], $0x18000  }
.Ltmp0:
0xe: {  	[sflag:s7] =	ssyncset.done $0x0;
	(pc) =	sbr.rel @!p0 .LBB2_2-.Ltmp0, $4  }
0xf: {  	s8 =	sadd.s32 $0x6A000, s8;
	[sflag:s7] =	ssyncadd.s32 $0xFFFE8000  }
0x10: {  	[hbm4b:s8+s2] =	stream.linear.scatter [tilespmem:s6], [sflag:$0x2], $0x18000, $0x38;
	[tilespmem:$0x19800] =	vst v63  }
0x11: {  	_ =	swait.ge [sflag:s3], $0x18000  }
0x12: {  	s9 =	sadd.s32 $0xFFFFFFFF, s9;
	[sflag:s3] =	ssyncset.done $0x0  }
.LBB2_1:
0x13: {  	p0 =	sne.s32 s9, $0x1;
	s9 =	sadd.s32 $0xFFFFFFFF, s9;
	[sflag:s3] =	ssyncadd.s32 $0xFFFE8000  }
0x14: {  	[tilespmem:s2], [sflag:$0x2] =	stream.linear.gather [hbm4b:s4+s2], $0x1800, $0x38;
	[tilespmem:$0x19800] =	vst v63  }
0x15: {  	_ =	swait.ge [sflag:s3], $0x1800  }
0x16: {  	[sflag:s3] =	ssyncset.done $0x0  }
0x17: {  	[sflag:s3] =	ssyncadd.s32 $0xFFFFE800  }
0x18: {  	[tilespmem:s6], [sflag:$0x1] =	stream.indirect.gather [hbm4b:s5+s6], $0x10, s2, s6, $0xb8;
	[tilespmem:$0x19800] =	vst v63  }
0x19: {  	_ =	swait.ge [sflag:s7], $0x18000  }
.Ltmp1:
0x1a: {  	[sflag:s7] =	ssyncset.done $0x0;
	(pc) =	sbr.rel @p0 .LBB2_1-.Ltmp1, $4  }
0x1b: {  	[sflag:s7] =	ssyncadd.s32 $0xFFFE8000  }
0x1c: {  	[hbm4b:s8+s2] =	stream.linear.scatter [tilespmem:s6], [sflag:$0x2], $0x18000, $0x38;
	[tilespmem:$0x19800] =	vst v63  }
0x1d: {  	_ =	swait.ge [sflag:s3], $0x18000  }
0x1e: {  	[sflag:s3] =	ssyncset.done $0x0  }
.LBB2_2:
0x1f: {  	[sflag:s3] =	ssyncadd.s32 $0xFFFE8000  }
0x20: {  	_ =	sfence.sel $0x180000  }
0x21: {  	[bflag:$0x0] =	sbarrier.arrive $0xFFFF  }
0x22: {  	p0 =	sne.s32 s0, $0x0;
	_ =	strace $0x90000047  }
0x23: {  	s0 =	sadd.s32 @!p0 $0x100000, s1;
	[bflag:$0x2] =	sbarrier.arrive $0xFFFF  }
0x24: {  	[sflag:s0] =	ssyncadd.tile.s32 @!p0 $0x1;
	_ =	shalt  }
.Lfunc_end2:
_tile_overlayer_lowered:
.L_overlay_start_2:
0x25: {  	(tag) =	ssettag $0x2  }
0x26: {  	s0 =	rddreg [dreg:$0x0];
	s2 =	stileid.u32  }
0x27: {  	s1 =	rddreg [dreg:$0x1];
	p0 =	sne.s32 s2, $0x0  }
0x28: {  	s3 =	rddreg [dreg:$0x2];
	[bflag:$0x3] =	sbarrier.arrive $0xFFFF;
	s2 =	simm.s32 @!p0 $0x1C02  }
0x29: {  	[timem:s3], [sflag:s2] =	dma.local @!p0 [hbm:s0], s1  }
0x2a: {  	s0 =	simm.s32 @!p0 $0x2  }
0x2b: {  	_ =	swait.ge @!p0 [sflag:s0], s1  }
0x2c: {  	s1 =	ssub.s32 @!p0 $0x0, s1;
	[sflag:s0] =	ssyncset.done @!p0 $0x0  }
0x2d: {  	[sflag:s0] =	ssyncadd.s32 @!p0 s1  }
0x2e: {  	[bflag:$0x3] =	sbarrier.arrive $0xFFFF  }
0x2f: {  	_ =	shalt  }

// kernel: kernel.9.cloned.1.call-start
scs
__scs_entry_jumppad:
0x0: {  	(pc) =	sbr.rel $0x88, $3  }
0x1: {  	(tag) =	ssettag $0x0;
	lr =	simm.s32 $0x1  }
0x2: {  	[smem:$0x3F88] =	sst lr;
	_ =	strace $0xD0000000  }
0x3: {  	_ = 	snop  }
0x4: {  	_ = 	snop  }
0x5: {  	_ = 	snop  }
0x6: {  	_ = 	snop  }
0x7: {  	_ = 	snop  }
__scs_overlays_trampoline_lowered:
0x8: {  	[smem:$0x3F97] =	sst s0  }
0x9: {  	[smem:$0x3F98] =	sst s1  }
0xa: {  	[smem:$0x3F99] =	sst s2  }
0xb: {  	[smem:$0x3F9A] =	sst s3  }
0xc: {  	[smem:$0x3F9B] =	sst s4  }
0xd: {  	[smem:$0x3F9C] =	sst s5  }
0xe: {  	[smem:$0x3F9D] =	sst s6  }
0xf: {  	[smem:$0x3F9E] =	sst s7  }
0x10: {  	[smem:$0x3F9F] =	sst s8  }
0x11: {  	[smem:$0x3FA0] =	sst s9;
	s0 =	simm.s32 @!p0 $0x0  }
0x12: {  	s1 =	sld [smem:$0x3F86];
	s0 =	simm.s32 @p0 $0x1  }
0x13: {  	[smem:$0x3FA1] =	sst s0;
	s0 =	simm.s32 @!p1 $0x0  }
0x14: {  	s2 =	sld [smem:$0x3F85];
	s0 =	simm.s32 @p1 $0x1  }
0x15: {  	[smem:$0x3FA2] =	sst s0;
	s0 =	simm.s32 @!p2 $0x0  }
0x16: {  	s3 =	sld [smem:$0x3FDB];
	s0 =	simm.s32 @p2 $0x1  }
0x17: {  	s4 =	simm.s32 $0x1BF5;
	[smem:$0x3FA4] =	sst s0  }
0x18: {  	s0 =	sld [smem:$0x3F87];
	_ =	swait.ge [sflag:s4], $0x0  }
0x19: {  	s7 =	sld [smem:$0x3F88]  }
0x1a: {  	s8 =	sadd.s32 $0xFFFFE003, lr  }
0x1b: {  	s9 =	sadd.s32 $0xFFFFFEF7, lr;
	s5 =	simm.s32 $0xFFFFFFFF;
	p2 =	slt.u32 s8, $0xFFFFF086  }
0x1c: {  	p1 =	slt.u32 s9, $0xF7A;
	s5 =	simm.s32 @!p2 $0x0  }
0x1d: {  	s5 =	simm.s32 @p1 $0x1;
	p0 =	seq.s32 s7, s2  }
0x1e: {  	s7 =	smul.u32 @!p0 $0xF7A, s2;
	p2 =	seq.s32 @!p0 s5, $0x0  }
0x1f: {  	s9 =	smul.u32 $0xF7A, s1;
	s8 =	simm.s32 @!p0 $0x1BF5;
	p2 =	por !p2, p0  }
0x20: {  	[sflag:s8] =	ssyncset.s32 @!p0 $0xFFFFF086;
	s6 =	sadd.s32 @!p0 s3, s7;
	s7 =	simm.s32 @!p0 $0x108  }
0x21: {  	s3 =	sadd.s32 s3, s9;
	s6 =	sadd.s32 @!p0 $0x88, s6;
	s7 =	simm.s32 @p2 $0x1082  }
0x22: {  	[simem:s7], [sflag:s8] =	dma.local @!p0 [hbm:s6], $0xF7A  }
0x23: {  	s9 =	sor.u32 $0xD0000000, s2;
	s6 =	simm.s32 $0x108;
	_ =	swait.ge @!p0 [sflag:s8], $0x0  }
0x24: {  	s3 =	sadd.s32 $0x88, s3;
	s6 =	simm.s32 @!p1 $0x1082;
	[sflag:s4] =	ssyncset.s32 $0xFFFFF086  }
0x25: {  	[simem:s6], [sflag:s4] =	dma.local [hbm:s3], $0xF7A  }
0x26: {  	[smem:$0x3F88] =	sst s1;
	(tag) =	ssettag s2;
	_ =	strace s9  }
0x27: {  	s1 =	sld [smem:$0x3F98]  }
0x28: {  	s2 =	sld [smem:$0x3F99]  }
0x29: {  	s4 =	sld [smem:$0x3F9B]  }
0x2a: {  	p0 =	seq.s32 s5, $0x0;
	s5 =	sld [smem:$0x3F9C]  }
0x2b: {  	s6 =	sld [smem:$0x3F9D]  }
0x2c: {  	s7 =	sld [smem:$0x3F9E]  }
0x2d: {  	s3 =	simm.s32 $0x108;
	s8 =	sld [smem:$0x3F9F]  }
0x2e: {  	s3 =	simm.s32 @!p0 $0x1082;
	s9 =	sld [smem:$0x3FA0]  }
0x2f: {  	lr =	sadd.s32 s0, s3;
	s0 =	sld [smem:$0x3F97]  }
0x30: {  	s3 =	sld [smem:$0x3F9A]  }
0x31: {  	[smem:$0x3FA3] =	sst s10  }
0x32: {  	s10 =	sld [smem:$0x3FA1];
	_ =	sdelay $0x3  }
0x33: {  	p0 =	seq.s32 s10, $0x1;
	s10 =	sld [smem:$0x3FA3];
	_ =	sdelay $0x3  }
0x34: {  	[smem:$0x3FA3] =	sst s10  }
0x35: {  	s10 =	sld [smem:$0x3FA2];
	_ =	sdelay $0x3  }
0x36: {  	p1 =	seq.s32 s10, $0x1;
	s10 =	sld [smem:$0x3FA3];
	_ =	sdelay $0x3  }
0x37: {  	[smem:$0x3FA3] =	sst s10  }
0x38: {  	s10 =	sld [smem:$0x3FA4]  }
0x39: {  	_ = 	snop;
	(pc) =	sbr.ind lr, $3  }
0x3a: {  	_ = 	snop  }
0x3b: {  	_ = 	snop  }
0x3c: {  	p2 =	seq.s32 s10, $0x1;
	s10 =	sld [smem:$0x3FA3]  }
0x3d: {  	_ =	shalt  }
0x3e: {  	_ =	shalt  }
0x3f: {  	_ =	shalt  }
0x40: {  	_ =	shalt  }
0x41: {  	_ =	shalt  }
0x42: {  	_ =	shalt  }
0x43: {  	_ =	shalt  }
0x44: {  	_ =	shalt  }
0x45: {  	_ =	shalt  }
0x46: {  	_ =	shalt  }
0x47: {  	_ =	shalt  }
0x48: {  	_ =	shalt  }
0x49: {  	_ =	shalt  }
0x4a: {  	_ =	shalt  }
0x4b: {  	_ =	shalt  }
0x4c: {  	_ =	shalt  }
0x4d: {  	_ =	shalt  }
0x4e: {  	_ =	shalt  }
0x4f: {  	_ =	shalt  }
0x50: {  	_ =	shalt  }
0x51: {  	_ =	shalt  }
0x52: {  	_ =	shalt  }
0x53: {  	_ =	shalt  }
0x54: {  	_ =	shalt  }
0x55: {  	_ =	shalt  }
0x56: {  	_ =	shalt  }
0x57: {  	_ =	shalt  }
0x58: {  	_ =	shalt  }
0x59: {  	_ =	shalt  }
0x5a: {  	_ =	shalt  }
0x5b: {  	_ =	shalt  }
0x5c: {  	_ =	shalt  }
0x5d: {  	_ =	shalt  }
0x5e: {  	_ =	shalt  }
0x5f: {  	_ =	shalt  }
0x60: {  	_ =	shalt  }
0x61: {  	_ =	shalt  }
0x62: {  	_ =	shalt  }
0x63: {  	_ =	shalt  }
0x64: {  	_ =	shalt  }
0x65: {  	_ =	shalt  }
0x66: {  	_ =	shalt  }
0x67: {  	_ =	shalt  }
0x68: {  	_ =	shalt  }
0x69: {  	_ =	shalt  }
0x6a: {  	_ =	shalt  }
0x6b: {  	_ =	shalt  }
0x6c: {  	_ =	shalt  }
0x6d: {  	_ =	shalt  }
0x6e: {  	_ =	shalt  }
0x6f: {  	_ =	shalt  }
0x70: {  	_ =	shalt  }
0x71: {  	_ =	shalt  }
0x72: {  	_ =	shalt  }
0x73: {  	_ =	shalt  }
0x74: {  	_ =	shalt  }
0x75: {  	_ =	shalt  }
0x76: {  	_ =	shalt  }
0x77: {  	_ =	shalt  }
0x78: {  	_ =	shalt  }
0x79: {  	_ =	shalt  }
0x7a: {  	_ =	shalt  }
0x7b: {  	_ =	shalt  }
0x7c: {  	_ =	shalt  }
0x7d: {  	_ =	shalt  }
0x7e: {  	_ =	shalt  }
0x7f: {  	_ =	shalt  }
0x80: {  	_ =	shalt  }
0x81: {  	_ =	shalt  }
0x82: {  	_ =	shalt  }
0x83: {  	_ =	shalt  }
0x84: {  	_ =	shalt  }
0x85: {  	_ =	shalt  }
0x86: {  	_ =	shalt  }
0x87: {  	_ =	shalt  }
.Lfunc_end0:
.L_simem_size_0:
called_computation.1_lowered:
.L_overlay_start_0:
0x88: {  	s2 =	sld [smem:$0x3FD9]  }
0x89: {  	s3 =	sld [smem:$0x3FFE];
	_ =	sdelay $0x1  }
0x8a: {  	s1 =	srdreg.scid  }
0x8b: {  	s0 =	sand.u32 $0x1, s1  }
0x8c: {  	s14 =	sshll.u32 s0, $0xA;
	s2 =	sadd.s32 s3, s2  }
0x8d: {  	s2 =	sadd.s32 s2, s14  }
0x8e: {  	[smem:$0x3FAF] =	sst s2  }
0x8f: {  	_ = 	snop  }
0x90: {  	s2 =	sld [smem:$0x3FD0];
	_ =	sdelay $0x2  }
0x91: {  	s15 =	simm.s32 $0xA;
	s4 =	simm.s32 $0x10  }
0x92: {  	[smem:s4], [sflag:s15] =	dma.local [hbm:s2], $0x1  }
0x93: {  	_ =	swait.eq [sflag:s15], $0x1  }
0x94: {  	[sflag:s15] =	ssyncset.done $0x0  }
0x95: {  	[sflag:s15] =	ssyncadd.s32 $0xFFFFFFFF  }
0x96: {  	s16 =	sld [smem:$0x10];
	(tm) =	ssettm $0x1  }
0x97: {  	s17 =	sld [smem:$0x3FFB];
	_ =	sdelay $0x3  }
0x98: {  	_ =	strace s17  }
0x99: {  	s3 =	sld [smem:$0x3FFC];
	_ =	sdelay $0x3  }
0x9a: {  	_ =	strace s3  }
0x9b: {  	s3 =	sld [smem:$0x3FFD];
	_ =	sdelay $0x3  }
0x9c: {  	_ =	strace s3  }
0x9d: {  	_ =	strace $0x8FFFFFFF  }
0x9e: {  	s18 =	sld [smem:$0x3FDB];
	_ =	sdelay $0x1  }
0x9f: {  	s19 =	simm.s32 $_scs_section_size  }
0xa0: {  	s5 =	simm.s32 $_size__tile_overlayer_lowered;
	s6 =	simm.s32 $_tile_overlayer_lowered  }
0xa1: {  	s22 =	simm.s32 $0x1BFF;
	s21 =	sshll.u32 s6, $0x1;
	s3 =	sadd.s32 s19, s18  }
0xa2: {  	s7 =	simm.s32 $0x0;
	s20 =	sshll.u32 s5, $0x1;
	s5 =	sadd.s32 s21, s3  }
0xa3: {  	[timem:s7], [sflag:s22] =	dma.local [hbm:s5], s20  }
0xa4: {  	_ =	swait.ge [sflag:s22], s20  }
0xa5: {  	s4 =	ssub.s32 $0x0, s20;
	[sflag:s22] =	ssyncset.done $0x0  }
0xa6: {  	[sflag:s22] =	ssyncadd.s32 s4;
	_ =	sdelay $0x1  }
0xa7: {  	s23 =	simm.s32 $0x1B8B  }
0xa8: {  	_ =	swait.ge [sflag:s23], $0x1  }
0xa9: {  	[sflag:s23] =	ssyncset.done $0x0  }
0xaa: {  	s25 =	simm.s32 $0x1B8E;
	s24 =	sld [smem:$0x3FFE];
	[sflag:s23] =	ssyncadd.s32 $0xFFFFFFFF  }
0xab: {  	s26 =	simm.s32 $execute0_lowered;
	[smem:$0x3FD2] =	sst s25  }
0xac: {  	s5 =	sshll.u32 s26, $0x1;
	_ =	strace $0x80000049;
	[dreg:$0x1] =	wrdreg $0xFFFFFFFF  }
0xad: {  	s28 =	simm.s32 $_size_execute0_lowered;
	s3 =	sadd.s32 s3, s5;
	[dreg:$0x0] =	wrdreg $0x0  }
0xae: {  	s5 =	sshll.u32 s28, $0x1;
	[dreg:$0x2] =	wrdreg s3  }
0xaf: {  	[dreg:$0x3] =	wrdreg s5  }
0xb0: {  	[dreg:$0x4] =	wrdreg $0xC0  }
0xb1: {  	_ =	task [dreg:s7], $0x5FFFF  }
0xb2: {  	[dreg:$0x1] =	wrdreg $0xFFFFFFFF  }
0xb3: {  	[dreg:$0x0] =	wrdreg $0x60  }
0xb4: {  	[dreg:$0x2] =	wrdreg s24  }
0xb5: {  	[dreg:$0x3] =	wrdreg s16  }
0xb6: {  	[dreg:$0x4] =	wrdreg $0x9  }
0xb7: {  	_ =	task.clear_ibuf [dreg:s7], $0x5FFFF;
	_ =	strace $0x90000049  }
0xb8: {  	s29 =	simm.s32 $0x9;
	_ =	strace $0x8000004B  }
0xb9: {  	_ =	swait.ge [sflag:s29], $0x1  }
0xba: {  	[sflag:s29] =	ssyncadd.s32 $0xFFFFFFFF  }
0xbb: {  	_ =	strace $0x9000004B  }
0xbc: {  	_ =	sfence  }
0xbd: {  	s30 =	sld [smem:$0x0];
	_ =	sdelay $0x2  }
0xbe: {  	s31 =	sshll.u32 s1, $0xD;
	s1 =	sshrl.u32 s1, $0x2  }
0xbf: {  	s3 =	sand.u32 $0x4000, s31;
	s1 =	sadd.s32 s1, s30  }
0xc0: {  	s0 =	sor.u32 s3, s0;
	s1 =	sshll.u32 s1, $0x11  }
0xc1: {  	s0 =	sor.u32 s1, s0  }
0xc2: {  	s0 =	sadd.s32 $0x8F2B, s0  }
0xc3: {  	[sflag:s0] =	ssyncadd.remote.s32 $0x1  }
0xc4: {  	_ =	sfence.sel $0xFFFF  }
0xc5: {  	[dreg:$0x0] =	wrdreg $0xFFFFFFFF;
	(pc) =	sbr.abs _section_cstart, $3  }
0xc6: {  	[dreg:$0x1] =	wrdreg $0xFFFFFFFF  }
0xc7: {  	_ =	task.clear_ibuf [dreg:s7], $0x2FFFF;
	_ =	strace $0x9FFFFFFF  }
0xc8: {  	(tm) =	ssettm $0x7FFFFFFF  }
0xc9: {  	_ =	shalt  }
tec
execute0_lowered:
.L_overlay_start_1:
0x0: {  	(tag) =	ssettag $0x1  }
0x1: {  	s1 =	srdreg.scid;
	s3 =	rddreg [dreg:$0x0]  }
0x2: {  	s0 =	stileid.u32;
	s5 =	rddreg [dreg:$0x1]  }
0x3: {  	s2 =	simm.s32 $0x0;
	s9 =	simm.s32 $0x880;
	s10 =	simm.s32 $0x1080  }
0x4: {  	s11 =	simm.s32 $0x1880;
	s12 =	simm.s32 $0x2080;
	s13 =	simm.s32 $0x2880  }
0x5: {  	s14 =	simm.s32 $0x3080;
	s15 =	simm.s32 $0x3880;
	s16 =	simm.s32 $0x4080  }
0x6: {  	s17 =	simm.s32 $0x4880;
	s18 =	simm.s32 $0x5080;
	s19 =	simm.s32 $0x5880  }
0x7: {  	s20 =	simm.s32 $0x6080;
	s21 =	simm.s32 $0x6880;
	s22 =	simm.s32 $0x7080  }
0x8: {  	s23 =	simm.s32 $0x7880;
	s24 =	simm.s32 $0x1;
	s4 =	sand.u32 $0x1, s1  }
0x9: {  	s6 =	sshll.u32 s0, $0x8;
	s1 =	rddreg [dreg:$0x2];
	s7 =	sshll.u32 s4, $0x7  }
0xa: {  	[smem:$0x7FF] =	sst s2;
	s4 =	ssub.s32 $0x2, s4;
	s6 =	sor.u32 s7, s6  }
0xb: {  	_ =	strace $0x8000004A;
	s8 =	sshrl.u32 s4, $0x1;
	s7 =	sshll.u32 s6, $0x5  }
0xc: {  	v2 =	vlaneseq.u32;
	s8 =	ssub.s32 s4, s8;
	s31 =	sshrl.u32 s6, $0x3;
	s7 =	sadd.s32 s7, s3  }
0xd: {  	vm0 =	vmmov $0xffff;
	v1 =	vshrl.u32 v2, $0x3;
	s3 =	sadd.s32 $0x24000, s3;
	s4 =	sadd.s32 s5, s31;
	s6 =	smax.u32 s8, $0x1  }
0xe: {  	v0 =	vand.u32 $0x7, v2;
	v2 =	vor.u32 $0x8, v2;
	v1 =	vmul.u32 $0x8, v1;
	s8 =	simm.s32 $0x80;
	s5 =	sadd.s32 $0x4000, s7;
	s7 =	simm.s32 $0x2  }
.LBB2_1:
0xf: {  	[tilespmem:s2], [sflag:$0x2] =	stream.linear.gather [hbm4b:s4+s2], $0x80, $0x38;
	[tilespmem:$0x8080] =	vst v63  }
0x10: {  	_ =	swait.ge [sflag:s7], $0x80  }
0x11: {  	[sflag:s7] =	ssyncset.done $0x0  }
0x12: {  	[sflag:s7] =	ssyncadd.s32 $0xFFFFFF80  }
0x13: {  	[tilespmem:s8], [sflag:$0x2] =	stream.linear.gather [hbm4b:s5+s2], $0x8000, $0x38;
	[tilespmem:$0x8080] =	vst v63  }
0x14: {  	_ =	swait.ge [sflag:s7], $0x8000  }
0x15: {  	[sflag:s7] =	ssyncset.done $0x0  }
0x16: {  	[sflag:s7] =	ssyncadd.s32 $0xFFFF8000  }
0x17: {  	v3 =	vld [tilespmem:$0x0];
	_ =	sdelay $0x4  }
0x18: {  	v4 =	vshll.u32 v3, $0x1  }
0x19: {  	v3 =	vand.u32 $0x7, v3;
	v4 =	vand.u32 $0xFFFFFFF0, v4  }
0x1a: {  	v3 =	vor.u32 v3, v4  }
0x1b: {  	v4 =	vperm.xlane v3, v0;
	_ =	sdelay $0x1  }
0x1c: {  	v3 =	vperm.xlane v3, v2;
	v4 =	vadd.s32 v1, v4;
	_ =	sdelay $0x1  }
0x1d: {  	v3 =	vadd.s32 v1, v3;
	_ =	sdelay $0x2  }
0x1e: {  	[hbm4b:s3+s2] =	stream.indirect_vreg.scatter [tilespmem:s8], [sflag:$0x1], $0x80, v4, vm0, $0xb8;
	[tilespmem:$0x8080] =	vst v63  }
0x1f: {  	_ = 	snop  }
0x20: {  	[hbm4b:s3+s2] =	stream.indirect_vreg.scatter [tilespmem:s9], [sflag:$0x1], $0x80, v3, vm0, $0xb8;
	[tilespmem:$0x8080] =	vst v63  }
0x21: {  	v3 =	vld [tilespmem:$0x10];
	_ =	sdelay $0x4  }
0x22: {  	v57 =	vshll.u32 v3, $0x1  }
0x23: {  	v3 =	vand.u32 $0x7, v3;
	v4 =	vand.u32 $0xFFFFFFF0, v57  }
0x24: {  	v3 =	vor.u32 v3, v4  }
0x25: {  	v4 =	vperm.xlane v3, v0;
	_ =	sdelay $0x1  }
0x26: {  	v3 =	vperm.xlane v3, v2;
	v4 =	vadd.s32 v1, v4;
	_ =	sdelay $0x1  }
0x27: {  	v3 =	vadd.s32 v1, v3;
	_ =	sdelay $0x2  }
0x28: {  	[hbm4b:s3+s2] =	stream.indirect_vreg.scatter [tilespmem:s10], [sflag:$0x1], $0x80, v4, vm0, $0xb8;
	[tilespmem:$0x8080] =	vst v63  }
0x29: {  	_ = 	snop  }
0x2a: {  	[hbm4b:s3+s2] =	stream.indirect_vreg.scatter [tilespmem:s11], [sflag:$0x1], $0x80, v3, vm0, $0xb8;
	[tilespmem:$0x8080] =	vst v63  }
0x2b: {  	v3 =	vld [tilespmem:$0x20];
	_ =	sdelay $0x4  }
0x2c: {  	v58 =	vshll.u32 v3, $0x1  }
0x2d: {  	v3 =	vand.u32 $0x7, v3;
	v4 =	vand.u32 $0xFFFFFFF0, v58  }
0x2e: {  	v3 =	vor.u32 v3, v4  }
0x2f: {  	v4 =	vperm.xlane v3, v0;
	_ =	sdelay $0x1  }
0x30: {  	v3 =	vperm.xlane v3, v2;
	v4 =	vadd.s32 v1, v4;
	_ =	sdelay $0x1  }
0x31: {  	v3 =	vadd.s32 v1, v3;
	_ =	sdelay $0x2  }
0x32: {  	[hbm4b:s3+s2] =	stream.indirect_vreg.scatter [tilespmem:s12], [sflag:$0x1], $0x80, v4, vm0, $0xb8;
	[tilespmem:$0x8080] =	vst v63  }
0x33: {  	_ = 	snop  }
0x34: {  	[hbm4b:s3+s2] =	stream.indirect_vreg.scatter [tilespmem:s13], [sflag:$0x1], $0x80, v3, vm0, $0xb8;
	[tilespmem:$0x8080] =	vst v63  }
0x35: {  	v3 =	vld [tilespmem:$0x30];
	_ =	sdelay $0x4  }
0x36: {  	v59 =	vshll.u32 v3, $0x1  }
0x37: {  	v3 =	vand.u32 $0x7, v3;
	v4 =	vand.u32 $0xFFFFFFF0, v59  }
0x38: {  	v3 =	vor.u32 v3, v4  }
0x39: {  	v4 =	vperm.xlane v3, v0;
	_ =	sdelay $0x1  }
0x3a: {  	v3 =	vperm.xlane v3, v2;
	v4 =	vadd.s32 v1, v4;
	_ =	sdelay $0x1  }
0x3b: {  	v3 =	vadd.s32 v1, v3;
	_ =	sdelay $0x2  }
0x3c: {  	[hbm4b:s3+s2] =	stream.indirect_vreg.scatter [tilespmem:s14], [sflag:$0x1], $0x80, v4, vm0, $0xb8;
	[tilespmem:$0x8080] =	vst v63  }
0x3d: {  	_ = 	snop  }
0x3e: {  	[hbm4b:s3+s2] =	stream.indirect_vreg.scatter [tilespmem:s15], [sflag:$0x1], $0x80, v3, vm0, $0xb8;
	[tilespmem:$0x8080] =	vst v63  }
0x3f: {  	v3 =	vld [tilespmem:$0x40];
	_ =	sdelay $0x4  }
0x40: {  	v60 =	vshll.u32 v3, $0x1  }
0x41: {  	v3 =	vand.u32 $0x7, v3;
	v4 =	vand.u32 $0xFFFFFFF0, v60  }
0x42: {  	v3 =	vor.u32 v3, v4  }
0x43: {  	v4 =	vperm.xlane v3, v0;
	_ =	sdelay $0x1  }
0x44: {  	v3 =	vperm.xlane v3, v2;
	v4 =	vadd.s32 v1, v4;
	_ =	sdelay $0x1  }
0x45: {  	v3 =	vadd.s32 v1, v3;
	_ =	sdelay $0x2  }
0x46: {  	[hbm4b:s3+s2] =	stream.indirect_vreg.scatter [tilespmem:s16], [sflag:$0x1], $0x80, v4, vm0, $0xb8;
	[tilespmem:$0x8080] =	vst v63  }
0x47: {  	_ = 	snop  }
0x48: {  	[hbm4b:s3+s2] =	stream.indirect_vreg.scatter [tilespmem:s17], [sflag:$0x1], $0x80, v3, vm0, $0xb8;
	[tilespmem:$0x8080] =	vst v63  }
0x49: {  	v3 =	vld [tilespmem:$0x50];
	_ =	sdelay $0x4  }
0x4a: {  	v61 =	vshll.u32 v3, $0x1  }
0x4b: {  	v3 =	vand.u32 $0x7, v3;
	v4 =	vand.u32 $0xFFFFFFF0, v61  }
0x4c: {  	v3 =	vor.u32 v3, v4  }
0x4d: {  	v4 =	vperm.xlane v3, v0;
	_ =	sdelay $0x1  }
0x4e: {  	v3 =	vperm.xlane v3, v2;
	v4 =	vadd.s32 v1, v4;
	_ =	sdelay $0x1  }
0x4f: {  	v3 =	vadd.s32 v1, v3;
	_ =	sdelay $0x2  }
0x50: {  	[hbm4b:s3+s2] =	stream.indirect_vreg.scatter [tilespmem:s18], [sflag:$0x1], $0x80, v4, vm0, $0xb8;
	[tilespmem:$0x8080] =	vst v63  }
0x51: {  	_ = 	snop  }
0x52: {  	[hbm4b:s3+s2] =	stream.indirect_vreg.scatter [tilespmem:s19], [sflag:$0x1], $0x80, v3, vm0, $0xb8;
	[tilespmem:$0x8080] =	vst v63  }
0x53: {  	v3 =	vld [tilespmem:$0x60];
	_ =	sdelay $0x4  }
0x54: {  	v62 =	vshll.u32 v3, $0x1  }
0x55: {  	v3 =	vand.u32 $0x7, v3;
	v4 =	vand.u32 $0xFFFFFFF0, v62  }
0x56: {  	v3 =	vor.u32 v3, v4  }
0x57: {  	v4 =	vperm.xlane v3, v0;
	_ =	sdelay $0x1  }
0x58: {  	v3 =	vperm.xlane v3, v2;
	v4 =	vadd.s32 v1, v4;
	_ =	sdelay $0x1  }
0x59: {  	v3 =	vadd.s32 v1, v3;
	_ =	sdelay $0x2  }
0x5a: {  	[hbm4b:s3+s2] =	stream.indirect_vreg.scatter [tilespmem:s20], [sflag:$0x1], $0x80, v4, vm0, $0xb8;
	[tilespmem:$0x8080] =	vst v63  }
0x5b: {  	_ = 	snop  }
0x5c: {  	[hbm4b:s3+s2] =	stream.indirect_vreg.scatter [tilespmem:s21], [sflag:$0x1], $0x80, v3, vm0, $0xb8;
	[tilespmem:$0x8080] =	vst v63  }
0x5d: {  	v3 =	vld [tilespmem:$0x70];
	_ =	sdelay $0x4  }
0x5e: {  	v63 =	vshll.u32 v3, $0x1  }
0x5f: {  	v3 =	vand.u32 $0x7, v3;
	v4 =	vand.u32 $0xFFFFFFF0, v63  }
0x60: {  	v3 =	vor.u32 v3, v4  }
0x61: {  	v4 =	vperm.xlane v3, v0;
	_ =	sdelay $0x1  }
0x62: {  	v3 =	vperm.xlane v3, v2;
	v4 =	vadd.s32 v1, v4;
	_ =	sdelay $0x1  }
0x63: {  	v3 =	vadd.s32 v1, v3;
	_ =	sdelay $0x1  }
0x64: {  	p0 =	sne.s32 s6, $0x1  }
0x65: {  	[hbm4b:s3+s2] =	stream.indirect_vreg.scatter [tilespmem:s22], [sflag:$0x1], $0x80, v4, vm0, $0xb8;
	[tilespmem:$0x8080] =	vst v63  }
.Ltmp0:
0x66: {  	_ = 	snop;
	(pc) =	sbr.rel @p0 .LBB2_1-.Ltmp0, $4  }
0x67: {  	[hbm4b:s3+s2] =	stream.indirect_vreg.scatter [tilespmem:s23], [sflag:$0x1], $0x80, v3, vm0, $0xb8;
	[tilespmem:$0x8080] =	vst v63  }
0x68: {  	_ =	swait.ge [sflag:s24], $0x8000  }
0x69: {  	[sflag:s24] =	ssyncset.done $0x0  }
0x6a: {  	s6 =	sadd.s32 $0xFFFFFFFF, s6;
	[sflag:s24] =	ssyncadd.s32 $0xFFFF8000  }
0x6b: {  	_ =	sfence.sel $0x180000  }
0x6c: {  	[bflag:$0x0] =	sbarrier.arrive $0xFFFF  }
0x6d: {  	p0 =	sne.s32 s0, $0x0;
	_ =	strace $0x9000004A  }
0x6e: {  	s0 =	sadd.s32 @!p0 $0x100000, s1;
	[bflag:$0x2] =	sbarrier.arrive $0xFFFF  }
0x6f: {  	[sflag:s0] =	ssyncadd.tile.s32 @!p0 $0x1;
	_ =	shalt  }
.Lfunc_end2:
_tile_overlayer_lowered:
.L_overlay_start_2:
0x70: {  	(tag) =	ssettag $0x2  }
0x71: {  	s0 =	rddreg [dreg:$0x0];
	s2 =	stileid.u32  }
0x72: {  	s1 =	rddreg [dreg:$0x1];
	p0 =	sne.s32 s2, $0x0  }
0x73: {  	s3 =	rddreg [dreg:$0x2];
	[bflag:$0x3] =	sbarrier.arrive $0xFFFF;
	s2 =	simm.s32 @!p0 $0x1C02  }
0x74: {  	[timem:s3], [sflag:s2] =	dma.local @!p0 [hbm:s0], s1  }
0x75: {  	s0 =	simm.s32 @!p0 $0x2  }
0x76: {  	_ =	swait.ge @!p0 [sflag:s0], s1  }
0x77: {  	s1 =	ssub.s32 @!p0 $0x0, s1;
	[sflag:s0] =	ssyncset.done @!p0 $0x0  }
0x78: {  	[sflag:s0] =	ssyncadd.s32 @!p0 s1  }
0x79: {  	[bflag:$0x3] =	sbarrier.arrive $0xFFFF  }
0x7a: {  	_ =	shalt  }

</sc_bundles>
